<compile_context>
chip_gen: v7x
topology: tpu7x:2x2x1
jax: 0.10.2.dev20260603
libtpu: 0.0.44.dev20260713+nightly
codegen_flags: <defaults>
</compile_context>

<pallas_src>
import functools

import jax
import jax.numpy as jnp
from jax import lax
from jax.experimental import pallas as pl
from jax.experimental.pallas import tpu as pltpu
from jax.experimental.pallas import tpu_sc as plsc

B = 16384
LF = 20
V = 1000
D = 133
NP = 67
NC, NS = 2, 16
NW = NC * NS
BW = B // NW
CB = 256


@functools.partial(
    pl.kernel,
    mesh=plsc.VectorSubcoreMesh(core_axis_name="c", subcore_axis_name="s"),
    out_type=jax.ShapeDtypeStruct((D, B), jnp.float32),
    compiler_params=pltpu.CompilerParams(use_tc_tiling_on_sc=True,
                                         needs_layout_passes=False),
    scratch_types=[
        pltpu.VMEM((NP * V,), jnp.int32),
        pltpu.VMEM((LF, CB), jnp.int32),
        pltpu.VMEM((D, CB), jnp.float32),
    ],
)
def _fg_pool(idx_hbm, tab_hbm, out_hbm, tab_v, idx_v, obuf):
    wid = lax.axis_index("s") * NC + lax.axis_index("c")
    pltpu.sync_copy(tab_hbm, tab_v)

    def chunk(i, _):
        b0 = wid * BW + i * CB
        pltpu.sync_copy(idx_hbm.at[:, pl.ds(b0, CB)], idx_v)

        def group(qb, _):
            bb = qb * 16
            idxs = [idx_v[g, pl.ds(bb, 16)] for g in range(LF)]

            def accum(cp):
                word = tab_v.at[pl.ds(cp * V, V)]
                vals = [plsc.bitcast(plsc.load_gather(word, [idxs[g]]),
                                     jnp.bfloat16) for g in range(LF)]
                while len(vals) > 1:
                    vals = [vals[k] + vals[k + 1]
                            for k in range(0, len(vals) - 1, 2)] + (
                        [vals[-1]] if len(vals) % 2 else [])
                return plsc.unpack(vals[0],
                                   format=plsc.PackFormat.INTERLEAVED)

            def pair_body(u, _):
                for k in range(3):
                    cp = 3 * u + k
                    lo, hi = accum(cp)
                    obuf[2 * cp, pl.ds(bb, 16)] = lo
                    obuf[2 * cp + 1, pl.ds(bb, 16)] = hi
                return 0

            lax.fori_loop(0, (NP - 1) // 3, pair_body, 0)
            lo, _ = accum(NP - 1)
            obuf[D - 1, pl.ds(bb, 16)] = lo
            return 0

        lax.fori_loop(0, CB // 16, group, 0)
        pltpu.sync_copy(obuf, out_hbm.at[:, pl.ds(b0, CB)])
        return 0

    lax.fori_loop(0, BW // CB, chunk, 0)


def kernel(fg_indices, fg_embedding):
    idx_t = fg_indices.astype(jnp.int32).T
    tab_t = jnp.pad(fg_embedding.T * jnp.float32(1.0 / LF),
                    ((0, 1), (0, 0)))
    folded = tab_t.astype(jnp.bfloat16).reshape(NP, 2, V).transpose(0, 2, 1)
    packed = lax.bitcast_convert_type(folded, jnp.int32)
    out_t = _fg_pool(idx_t, packed.reshape(NP * V))
    return out_t.T

# --- scband reference (transcript-rebuilt; emitter-appended) ---
"""Pipeline reference for scband-functional-group-prompt-61332132986979 (READ-ONLY COPY).

The authoritative reference and input builder live on the scoring server;
editing this copy changes nothing except your own understanding.
"""

import jax, jax.numpy as jnp
import numpy as np


def setup_inputs(seed: int = 0) -> dict:
    key = jax.random.key(seed)
    k1, k2 = jax.random.split(key)
    fg_indices = jax.random.randint(k1, (16384, 20), 0, 1000)
    fg_embedding = jax.random.normal(k2, (1000, 133), dtype=jnp.float32)
    return {"fg_indices": fg_indices, "fg_embedding": fg_embedding}


def reference(fg_indices, fg_embedding):
    # nn.Embedding lookup: gather rows of the table, then mean over the
    # functional-group axis (dim=1). The Linear layer in __init__ is unused
    # in the original forward, so it is omitted here as well.
    fg_embs = jnp.take(fg_embedding, fg_indices, axis=0)  # [B, L, 133]
    return fg_embs.mean(axis=1)  # [B, 133]

if __name__ == "__main__":
    import jax
    _d = setup_inputs()
    print(jax.jit(kernel)(*tuple(_d.values())))

</pallas_src>

<mosaic_0001>
#map = affine_map<(d0, d1) -> (0, 0)>
#map1 = affine_map<(d0, d1) -> (0)>
module attributes {stable_mosaic.version = 14 : i64} {
  func.func @_fg_pool(%arg0: i32, %arg1: i32, %arg2: memref<20x16384xi32, #tpu.memory_space<hbm>>, %arg3: memref<67000xi32, #tpu.memory_space<hbm>>, %arg4: memref<133x16384xf32, #tpu.memory_space<hbm>>, %arg5: memref<67000xi32, #tpu.memory_space<vmem>>, %arg6: memref<20x256xi32, #tpu.memory_space<vmem>>, %arg7: memref<133x256xf32, #tpu.memory_space<vmem>>) attributes {dimension_semantics = [#tpu.dimension_semantics<core_parallel>, #tpu.dimension_semantics<subcore_parallel>], iteration_bounds = array<i64: 2, 16>, scalar_prefetch = 0 : i64, scratch_operands = 3 : i64, tpu.core_type = #tpu.core_type<sc_vector_subcore>, window_params = [{transform_indices = #map}, {transform_indices = #map1}, {transform_indices = #map}]} {
    %mul3A = arith.constant 2 : i32
    %mul3A_0 = arith.muli %arg1, %mul3A : i32
    %add3A = arith.addi %mul3A_0, %arg0 : i32
    "tpu.region"() ({
      %run_scoped3A = tpu.sem_alloc : memref<!tpu.dma_semaphore, #tpu.memory_space<semaphore_mem>>
      tpu.enqueue_dma source(%arg3 : memref<67000xi32, #tpu.memory_space<hbm>>) target(%arg5 : memref<67000xi32, #tpu.memory_space<vmem>>) target_semaphore(%run_scoped3A : memref<!tpu.dma_semaphore, #tpu.memory_space<semaphore_mem>>)
      tpu.wait_dma2 semaphore(%run_scoped3A : memref<!tpu.dma_semaphore, #tpu.memory_space<semaphore_mem>>) src(%arg3 : memref<67000xi32, #tpu.memory_space<hbm>>) dst(%arg5 : memref<67000xi32, #tpu.memory_space<vmem>>)
      tpu.yield
    }) : () -> ()
    %scan3A = arith.constant 0 : i32
    %scan3A_1 = arith.constant 0 : i32
    %scan3A_2 = arith.constant 2 : i32
    %scan3A_3 = arith.addi %scan3A_1, %scan3A_2 : i32
    %scan3A_4 = arith.constant 1 : i32
    %scan3A_5 = scf.for %scan3A_7 = %scan3A_1 to %scan3A_3 step %scan3A_4 iter_args(%scan3A_8 = %scan3A) -> (i32)  : i32 {
      %mul3A_9 = arith.constant 512 : i32
      %mul3A_10 = arith.muli %add3A, %mul3A_9 : i32
      %mul3A_11 = arith.constant 256 : i32
      %mul3A_12 = arith.muli %scan3A_7, %mul3A_11 : i32
      %add3A_13 = arith.addi %mul3A_10, %mul3A_12 : i32
      "tpu.region"() ({
        %run_scoped3A = tpu.sem_alloc : memref<!tpu.dma_semaphore, #tpu.memory_space<semaphore_mem>>
        %dma_start3A = arith.constant 0 : i32
        %dma_start3A_22 = tpu.memref_slice %arg2[%dma_start3A, %add3A_13] : memref<20x16384xi32, #tpu.memory_space<hbm>> -> memref<20x256xi32, #tpu.memory_space<hbm>>
        %dma_start3A_23 = arith.constant 0 : i32
        %dma_start3A_24 = tpu.memref_slice %arg2[%dma_start3A_23, %add3A_13] : memref<20x16384xi32, #tpu.memory_space<hbm>> -> memref<20x256xi32, #tpu.memory_space<hbm>>
        tpu.enqueue_dma source(%dma_start3A_24 : memref<20x256xi32, #tpu.memory_space<hbm>>) target(%arg6 : memref<20x256xi32, #tpu.memory_space<vmem>>) target_semaphore(%run_scoped3A : memref<!tpu.dma_semaphore, #tpu.memory_space<semaphore_mem>>)
        %dma_wait3A = arith.constant 0 : i32
        %dma_wait3A_25 = tpu.memref_slice %arg2[%dma_wait3A, %add3A_13] : memref<20x16384xi32, #tpu.memory_space<hbm>> -> memref<20x256xi32, #tpu.memory_space<hbm>>
        %dma_wait3A_26 = arith.constant 0 : i32
        %dma_wait3A_27 = tpu.memref_slice %arg2[%dma_wait3A_26, %add3A_13] : memref<20x16384xi32, #tpu.memory_space<hbm>> -> memref<20x256xi32, #tpu.memory_space<hbm>>
        tpu.wait_dma2 semaphore(%run_scoped3A : memref<!tpu.dma_semaphore, #tpu.memory_space<semaphore_mem>>) src(%dma_wait3A_27 : memref<20x256xi32, #tpu.memory_space<hbm>>) dst(%arg6 : memref<20x256xi32, #tpu.memory_space<vmem>>)
        tpu.yield
      }) : () -> ()
      %scan3A_14 = arith.constant 0 : i32
      %scan3A_15 = arith.constant 0 : i32
      %scan3A_16 = arith.constant 16 : i32
      %scan3A_17 = arith.addi %scan3A_15, %scan3A_16 : i32
      %scan3A_18 = arith.constant 1 : i32
      %scan3A_19 = scf.for %scan3A_22 = %scan3A_15 to %scan3A_17 step %scan3A_18 iter_args(%scan3A_23 = %scan3A_14) -> (i32)  : i32 {
        %mul3A_24 = arith.constant 16 : i32
        %mul3A_25 = arith.muli %scan3A_22, %mul3A_24 : i32
        %get3A = arith.constant 0 : i32
        %get3A_26 = arith.index_cast %get3A : i32 to index
        %get3A_27 = arith.index_cast %mul3A_25 : i32 to index
        %get3A_28 = tpu.vector_load %arg6[%get3A_26, %get3A_27] {strides = array<i32>} : memref<20x256xi32, #tpu.memory_space<vmem>>, vector<16xi32>,
        %get3A_29 = arith.constant 1 : i32
        %get3A_30 = arith.index_cast %get3A_29 : i32 to index
        %get3A_31 = arith.index_cast %mul3A_25 : i32 to index
        %get3A_32 = tpu.vector_load %arg6[%get3A_30, %get3A_31] {strides = array<i32>} : memref<20x256xi32, #tpu.memory_space<vmem>>, vector<16xi32>,
        %get3A_33 = arith.constant 2 : i32
        %get3A_34 = arith.index_cast %get3A_33 : i32 to index
        %get3A_35 = arith.index_cast %mul3A_25 : i32 to index
        %get3A_36 = tpu.vector_load %arg6[%get3A_34, %get3A_35] {strides = array<i32>} : memref<20x256xi32, #tpu.memory_space<vmem>>, vector<16xi32>,
        %get3A_37 = arith.constant 3 : i32
        %get3A_38 = arith.index_cast %get3A_37 : i32 to index
        %get3A_39 = arith.index_cast %mul3A_25 : i32 to index
        %get3A_40 = tpu.vector_load %arg6[%get3A_38, %get3A_39] {strides = array<i32>} : memref<20x256xi32, #tpu.memory_space<vmem>>, vector<16xi32>,
        %get3A_41 = arith.constant 4 : i32
        %get3A_42 = arith.index_cast %get3A_41 : i32 to index
        %get3A_43 = arith.index_cast %mul3A_25 : i32 to index
        %get3A_44 = tpu.vector_load %arg6[%get3A_42, %get3A_43] {strides = array<i32>} : memref<20x256xi32, #tpu.memory_space<vmem>>, vector<16xi32>,
        %get3A_45 = arith.constant 5 : i32
        %get3A_46 = arith.index_cast %get3A_45 : i32 to index
        %get3A_47 = arith.index_cast %mul3A_25 : i32 to index
        %get3A_48 = tpu.vector_load %arg6[%get3A_46, %get3A_47] {strides = array<i32>} : memref<20x256xi32, #tpu.memory_space<vmem>>, vector<16xi32>,
        %get3A_49 = arith.constant 6 : i32
        %get3A_50 = arith.index_cast %get3A_49 : i32 to index
        %get3A_51 = arith.index_cast %mul3A_25 : i32 to index
        %get3A_52 = tpu.vector_load %arg6[%get3A_50, %get3A_51] {strides = array<i32>} : memref<20x256xi32, #tpu.memory_space<vmem>>, vector<16xi32>,
        %get3A_53 = arith.constant 7 : i32
        %get3A_54 = arith.index_cast %get3A_53 : i32 to index
        %get3A_55 = arith.index_cast %mul3A_25 : i32 to index
        %get3A_56 = tpu.vector_load %arg6[%get3A_54, %get3A_55] {strides = array<i32>} : memref<20x256xi32, #tpu.memory_space<vmem>>, vector<16xi32>,
        %get3A_57 = arith.constant 8 : i32
        %get3A_58 = arith.index_cast %get3A_57 : i32 to index
        %get3A_59 = arith.index_cast %mul3A_25 : i32 to index
        %get3A_60 = tpu.vector_load %arg6[%get3A_58, %get3A_59] {strides = array<i32>} : memref<20x256xi32, #tpu.memory_space<vmem>>, vector<16xi32>,
        %get3A_61 = arith.constant 9 : i32
        %get3A_62 = arith.index_cast %get3A_61 : i32 to index
        %get3A_63 = arith.index_cast %mul3A_25 : i32 to index
        %get3A_64 = tpu.vector_load %arg6[%get3A_62, %get3A_63] {strides = array<i32>} : memref<20x256xi32, #tpu.memory_space<vmem>>, vector<16xi32>,
        %get3A_65 = arith.constant 10 : i32
        %get3A_66 = arith.index_cast %get3A_65 : i32 to index
        %get3A_67 = arith.index_cast %mul3A_25 : i32 to index
        %get3A_68 = tpu.vector_load %arg6[%get3A_66, %get3A_67] {strides = array<i32>} : memref<20x256xi32, #tpu.memory_space<vmem>>, vector<16xi32>,
        %get3A_69 = arith.constant 11 : i32
        %get3A_70 = arith.index_cast %get3A_69 : i32 to index
        %get3A_71 = arith.index_cast %mul3A_25 : i32 to index
        %get3A_72 = tpu.vector_load %arg6[%get3A_70, %get3A_71] {strides = array<i32>} : memref<20x256xi32, #tpu.memory_space<vmem>>, vector<16xi32>,
        %get3A_73 = arith.constant 12 : i32
        %get3A_74 = arith.index_cast %get3A_73 : i32 to index
        %get3A_75 = arith.index_cast %mul3A_25 : i32 to index
        %get3A_76 = tpu.vector_load %arg6[%get3A_74, %get3A_75] {strides = array<i32>} : memref<20x256xi32, #tpu.memory_space<vmem>>, vector<16xi32>,
        %get3A_77 = arith.constant 13 : i32
        %get3A_78 = arith.index_cast %get3A_77 : i32 to index
        %get3A_79 = arith.index_cast %mul3A_25 : i32 to index
        %get3A_80 = tpu.vector_load %arg6[%get3A_78, %get3A_79] {strides = array<i32>} : memref<20x256xi32, #tpu.memory_space<vmem>>, vector<16xi32>,
        %get3A_81 = arith.constant 14 : i32
        %get3A_82 = arith.index_cast %get3A_81 : i32 to index
        %get3A_83 = arith.index_cast %mul3A_25 : i32 to index
        %get3A_84 = tpu.vector_load %arg6[%get3A_82, %get3A_83] {strides = array<i32>} : memref<20x256xi32, #tpu.memory_space<vmem>>, vector<16xi32>,
        %get3A_85 = arith.constant 15 : i32
        %get3A_86 = arith.index_cast %get3A_85 : i32 to index
        %get3A_87 = arith.index_cast %mul3A_25 : i32 to index
        %get3A_88 = tpu.vector_load %arg6[%get3A_86, %get3A_87] {strides = array<i32>} : memref<20x256xi32, #tpu.memory_space<vmem>>, vector<16xi32>,
        %get3A_89 = arith.constant 16 : i32
        %get3A_90 = arith.index_cast %get3A_89 : i32 to index
        %get3A_91 = arith.index_cast %mul3A_25 : i32 to index
        %get3A_92 = tpu.vector_load %arg6[%get3A_90, %get3A_91] {strides = array<i32>} : memref<20x256xi32, #tpu.memory_space<vmem>>, vector<16xi32>,
        %get3A_93 = arith.constant 17 : i32
        %get3A_94 = arith.index_cast %get3A_93 : i32 to index
        %get3A_95 = arith.index_cast %mul3A_25 : i32 to index
        %get3A_96 = tpu.vector_load %arg6[%get3A_94, %get3A_95] {strides = array<i32>} : memref<20x256xi32, #tpu.memory_space<vmem>>, vector<16xi32>,
        %get3A_97 = arith.constant 18 : i32
        %get3A_98 = arith.index_cast %get3A_97 : i32 to index
        %get3A_99 = arith.index_cast %mul3A_25 : i32 to index
        %get3A_100 = tpu.vector_load %arg6[%get3A_98, %get3A_99] {strides = array<i32>} : memref<20x256xi32, #tpu.memory_space<vmem>>, vector<16xi32>,
        %get3A_101 = arith.constant 19 : i32
        %get3A_102 = arith.index_cast %get3A_101 : i32 to index
        %get3A_103 = arith.index_cast %mul3A_25 : i32 to index
        %get3A_104 = tpu.vector_load %arg6[%get3A_102, %get3A_103] {strides = array<i32>} : memref<20x256xi32, #tpu.memory_space<vmem>>, vector<16xi32>,
        %scan3A_105 = arith.constant 0 : i32
        %scan3A_106 = arith.constant 0 : i32
        %scan3A_107 = arith.constant 22 : i32
        %scan3A_108 = arith.addi %scan3A_106, %scan3A_107 : i32
        %scan3A_109 = arith.constant 1 : i32
        %scan3A_110 = scf.for %scan3A_214 = %scan3A_106 to %scan3A_108 step %scan3A_109 iter_args(%scan3A_215 = %scan3A_105) -> (i32)  : i32 {
          %mul3A_216 = arith.constant 3 : i32
          %mul3A_217 = arith.muli %mul3A_216, %scan3A_214 : i32
          %add3A_218 = arith.constant 0 : i32
          %add3A_219 = arith.addi %mul3A_217, %add3A_218 : i32
          %mul3A_220 = arith.constant 1000 : i32
          %mul3A_221 = arith.muli %add3A_219, %mul3A_220 : i32
          %gather3A_222 = tpu.memref_slice %arg5[%mul3A_221] : memref<67000xi32, #tpu.memory_space<vmem>> -> memref<1000xi32, #tpu.memory_space<vmem>>
          %gather3A_223 = tpu.vector_load_idx %gather3A_222[%get3A_28] : memref<1000xi32, #tpu.memory_space<vmem>>[vector<16xi32>], vector<16xi32>,
          %bitcast3A_224 = vector.bitcast %gather3A_223 : vector<16xi32> to vector<32xbf16>
          %gather3A_225 = tpu.memref_slice %arg5[%mul3A_221] : memref<67000xi32, #tpu.memory_space<vmem>> -> memref<1000xi32, #tpu.memory_space<vmem>>
          %gather3A_226 = tpu.vector_load_idx %gather3A_225[%get3A_32] : memref<1000xi32, #tpu.memory_space<vmem>>[vector<16xi32>], vector<16xi32>,
          %bitcast3A_227 = vector.bitcast %gather3A_226 : vector<16xi32> to vector<32xbf16>
          %gather3A_228 = tpu.memref_slice %arg5[%mul3A_221] : memref<67000xi32, #tpu.memory_space<vmem>> -> memref<1000xi32, #tpu.memory_space<vmem>>
          %gather3A_229 = tpu.vector_load_idx %gather3A_228[%get3A_36] : memref<1000xi32, #tpu.memory_space<vmem>>[vector<16xi32>], vector<16xi32>,
          %bitcast3A_230 = vector.bitcast %gather3A_229 : vector<16xi32> to vector<32xbf16>
          %gather3A_231 = tpu.memref_slice %arg5[%mul3A_221] : memref<67000xi32, #tpu.memory_space<vmem>> -> memref<1000xi32, #tpu.memory_space<vmem>>
          %gather3A_232 = tpu.vector_load_idx %gather3A_231[%get3A_40] : memref<1000xi32, #tpu.memory_space<vmem>>[vector<16xi32>], vector<16xi32>,
          %bitcast3A_233 = vector.bitcast %gather3A_232 : vector<16xi32> to vector<32xbf16>
          %gather3A_234 = tpu.memref_slice %arg5[%mul3A_221] : memref<67000xi32, #tpu.memory_space<vmem>> -> memref<1000xi32, #tpu.memory_space<vmem>>
          %gather3A_235 = tpu.vector_load_idx %gather3A_234[%get3A_44] : memref<1000xi32, #tpu.memory_space<vmem>>[vector<16xi32>], vector<16xi32>,
          %bitcast3A_236 = vector.bitcast %gather3A_235 : vector<16xi32> to vector<32xbf16>
          %gather3A_237 = tpu.memref_slice %arg5[%mul3A_221] : memref<67000xi32, #tpu.memory_space<vmem>> -> memref<1000xi32, #tpu.memory_space<vmem>>
          %gather3A_238 = tpu.vector_load_idx %gather3A_237[%get3A_48] : memref<1000xi32, #tpu.memory_space<vmem>>[vector<16xi32>], vector<16xi32>,
          %bitcast3A_239 = vector.bitcast %gather3A_238 : vector<16xi32> to vector<32xbf16>
          %gather3A_240 = tpu.memref_slice %arg5[%mul3A_221] : memref<67000xi32, #tpu.memory_space<vmem>> -> memref<1000xi32, #tpu.memory_space<vmem>>
          %gather3A_241 = tpu.vector_load_idx %gather3A_240[%get3A_52] : memref<1000xi32, #tpu.memory_space<vmem>>[vector<16xi32>], vector<16xi32>,
          %bitcast3A_242 = vector.bitcast %gather3A_241 : vector<16xi32> to vector<32xbf16>
          %gather3A_243 = tpu.memref_slice %arg5[%mul3A_221] : memref<67000xi32, #tpu.memory_space<vmem>> -> memref<1000xi32, #tpu.memory_space<vmem>>
          %gather3A_244 = tpu.vector_load_idx %gather3A_243[%get3A_56] : memref<1000xi32, #tpu.memory_space<vmem>>[vector<16xi32>], vector<16xi32>,
          %bitcast3A_245 = vector.bitcast %gather3A_244 : vector<16xi32> to vector<32xbf16>
          %gather3A_246 = tpu.memref_slice %arg5[%mul3A_221] : memref<67000xi32, #tpu.memory_space<vmem>> -> memref<1000xi32, #tpu.memory_space<vmem>>
          %gather3A_247 = tpu.vector_load_idx %gather3A_246[%get3A_60] : memref<1000xi32, #tpu.memory_space<vmem>>[vector<16xi32>], vector<16xi32>,
          %bitcast3A_248 = vector.bitcast %gather3A_247 : vector<16xi32> to vector<32xbf16>
          %gather3A_249 = tpu.memref_slice %arg5[%mul3A_221] : memref<67000xi32, #tpu.memory_space<vmem>> -> memref<1000xi32, #tpu.memory_space<vmem>>
          %gather3A_250 = tpu.vector_load_idx %gather3A_249[%get3A_64] : memref<1000xi32, #tpu.memory_space<vmem>>[vector<16xi32>], vector<16xi32>,
          %bitcast3A_251 = vector.bitcast %gather3A_250 : vector<16xi32> to vector<32xbf16>
          %gather3A_252 = tpu.memref_slice %arg5[%mul3A_221] : memref<67000xi32, #tpu.memory_space<vmem>> -> memref<1000xi32, #tpu.memory_space<vmem>>
          %gather3A_253 = tpu.vector_load_idx %gather3A_252[%get3A_68] : memref<1000xi32, #tpu.memory_space<vmem>>[vector<16xi32>], vector<16xi32>,
          %bitcast3A_254 = vector.bitcast %gather3A_253 : vector<16xi32> to vector<32xbf16>
          %gather3A_255 = tpu.memref_slice %arg5[%mul3A_221] : memref<67000xi32, #tpu.memory_space<vmem>> -> memref<1000xi32, #tpu.memory_space<vmem>>
          %gather3A_256 = tpu.vector_load_idx %gather3A_255[%get3A_72] : memref<1000xi32, #tpu.memory_space<vmem>>[vector<16xi32>], vector<16xi32>,
          %bitcast3A_257 = vector.bitcast %gather3A_256 : vector<16xi32> to vector<32xbf16>
          %gather3A_258 = tpu.memref_slice %arg5[%mul3A_221] : memref<67000xi32, #tpu.memory_space<vmem>> -> memref<1000xi32, #tpu.memory_space<vmem>>
          %gather3A_259 = tpu.vector_load_idx %gather3A_258[%get3A_76] : memref<1000xi32, #tpu.memory_space<vmem>>[vector<16xi32>], vector<16xi32>,
          %bitcast3A_260 = vector.bitcast %gather3A_259 : vector<16xi32> to vector<32xbf16>
          %gather3A_261 = tpu.memref_slice %arg5[%mul3A_221] : memref<67000xi32, #tpu.memory_space<vmem>> -> memref<1000xi32, #tpu.memory_space<vmem>>
          %gather3A_262 = tpu.vector_load_idx %gather3A_261[%get3A_80] : memref<1000xi32, #tpu.memory_space<vmem>>[vector<16xi32>], vector<16xi32>,
          %bitcast3A_263 = vector.bitcast %gather3A_262 : vector<16xi32> to vector<32xbf16>
          %gather3A_264 = tpu.memref_slice %arg5[%mul3A_221] : memref<67000xi32, #tpu.memory_space<vmem>> -> memref<1000xi32, #tpu.memory_space<vmem>>
          %gather3A_265 = tpu.vector_load_idx %gather3A_264[%get3A_84] : memref<1000xi32, #tpu.memory_space<vmem>>[vector<16xi32>], vector<16xi32>,
          %bitcast3A_266 = vector.bitcast %gather3A_265 : vector<16xi32> to vector<32xbf16>
          %gather3A_267 = tpu.memref_slice %arg5[%mul3A_221] : memref<67000xi32, #tpu.memory_space<vmem>> -> memref<1000xi32, #tpu.memory_space<vmem>>
          %gather3A_268 = tpu.vector_load_idx %gather3A_267[%get3A_88] : memref<1000xi32, #tpu.memory_space<vmem>>[vector<16xi32>], vector<16xi32>,
          %bitcast3A_269 = vector.bitcast %gather3A_268 : vector<16xi32> to vector<32xbf16>
          %gather3A_270 = tpu.memref_slice %arg5[%mul3A_221] : memref<67000xi32, #tpu.memory_space<vmem>> -> memref<1000xi32, #tpu.memory_space<vmem>>
          %gather3A_271 = tpu.vector_load_idx %gather3A_270[%get3A_92] : memref<1000xi32, #tpu.memory_space<vmem>>[vector<16xi32>], vector<16xi32>,
          %bitcast3A_272 = vector.bitcast %gather3A_271 : vector<16xi32> to vector<32xbf16>
          %gather3A_273 = tpu.memref_slice %arg5[%mul3A_221] : memref<67000xi32, #tpu.memory_space<vmem>> -> memref<1000xi32, #tpu.memory_space<vmem>>
          %gather3A_274 = tpu.vector_load_idx %gather3A_273[%get3A_96] : memref<1000xi32, #tpu.memory_space<vmem>>[vector<16xi32>], vector<16xi32>,
          %bitcast3A_275 = vector.bitcast %gather3A_274 : vector<16xi32> to vector<32xbf16>
          %gather3A_276 = tpu.memref_slice %arg5[%mul3A_221] : memref<67000xi32, #tpu.memory_space<vmem>> -> memref<1000xi32, #tpu.memory_space<vmem>>
          %gather3A_277 = tpu.vector_load_idx %gather3A_276[%get3A_100] : memref<1000xi32, #tpu.memory_space<vmem>>[vector<16xi32>], vector<16xi32>,
          %bitcast3A_278 = vector.bitcast %gather3A_277 : vector<16xi32> to vector<32xbf16>
          %gather3A_279 = tpu.memref_slice %arg5[%mul3A_221] : memref<67000xi32, #tpu.memory_space<vmem>> -> memref<1000xi32, #tpu.memory_space<vmem>>
          %gather3A_280 = tpu.vector_load_idx %gather3A_279[%get3A_104] : memref<1000xi32, #tpu.memory_space<vmem>>[vector<16xi32>], vector<16xi32>,
          %bitcast3A_281 = vector.bitcast %gather3A_280 : vector<16xi32> to vector<32xbf16>
          %add3A_282 = arith.addf %bitcast3A_224, %bitcast3A_227 : vector<32xbf16>
          %add3A_283 = arith.addf %bitcast3A_230, %bitcast3A_233 : vector<32xbf16>
          %add3A_284 = arith.addf %bitcast3A_236, %bitcast3A_239 : vector<32xbf16>
          %add3A_285 = arith.addf %bitcast3A_242, %bitcast3A_245 : vector<32xbf16>
          %add3A_286 = arith.addf %bitcast3A_248, %bitcast3A_251 : vector<32xbf16>
          %add3A_287 = arith.addf %bitcast3A_254, %bitcast3A_257 : vector<32xbf16>
          %add3A_288 = arith.addf %bitcast3A_260, %bitcast3A_263 : vector<32xbf16>
          %add3A_289 = arith.addf %bitcast3A_266, %bitcast3A_269 : vector<32xbf16>
          %add3A_290 = arith.addf %bitcast3A_272, %bitcast3A_275 : vector<32xbf16>
          %add3A_291 = arith.addf %bitcast3A_278, %bitcast3A_281 : vector<32xbf16>
          %add3A_292 = arith.addf %add3A_282, %add3A_283 : vector<32xbf16>
          %add3A_293 = arith.addf %add3A_284, %add3A_285 : vector<32xbf16>
          %add3A_294 = arith.addf %add3A_286, %add3A_287 : vector<32xbf16>
          %add3A_295 = arith.addf %add3A_288, %add3A_289 : vector<32xbf16>
          %add3A_296 = arith.addf %add3A_290, %add3A_291 : vector<32xbf16>
          %add3A_297 = arith.addf %add3A_292, %add3A_293 : vector<32xbf16>
          %add3A_298 = arith.addf %add3A_294, %add3A_295 : vector<32xbf16>
          %add3A_299 = arith.addf %add3A_297, %add3A_298 : vector<32xbf16>
          %add3A_300 = arith.addf %add3A_299, %add3A_296 : vector<32xbf16>
          %unpack3A_301 = tpu.unpack_subelements %add3A_300, 0 {pack_format = #tpu.pack_format<interleaved>} : vector<32xbf16> -> vector<16xf32>
          %unpack3A_302 = tpu.unpack_subelements %add3A_300, 1 {pack_format = #tpu.pack_format<interleaved>} : vector<32xbf16> -> vector<16xf32>
          %mul3A_303 = arith.constant 2 : i32
          %mul3A_304 = arith.muli %mul3A_303, %add3A_219 : i32
          %swap3A_305 = arith.index_cast %mul3A_304 : i32 to index
          %swap3A_306 = arith.index_cast %mul3A_25 : i32 to index
          %swap3A_307 = tpu.vector_load %arg7[%swap3A_305, %swap3A_306] {strides = array<i32>} : memref<133x256xf32, #tpu.memory_space<vmem>>, vector<16xf32>,
          tpu.vector_store %arg7[%swap3A_305, %swap3A_306], %unpack3A_301 {strides = array<i32>} : memref<133x256xf32, #tpu.memory_space<vmem>>, vector<16xf32>,
          %mul3A_308 = arith.constant 2 : i32
          %mul3A_309 = arith.muli %mul3A_308, %add3A_219 : i32
          %add3A_310 = arith.constant 1 : i32
          %add3A_311 = arith.addi %mul3A_309, %add3A_310 : i32
          %swap3A_312 = arith.index_cast %add3A_311 : i32 to index
          %swap3A_313 = arith.index_cast %mul3A_25 : i32 to index
          %swap3A_314 = tpu.vector_load %arg7[%swap3A_312, %swap3A_313] {strides = array<i32>} : memref<133x256xf32, #tpu.memory_space<vmem>>, vector<16xf32>,
          tpu.vector_store %arg7[%swap3A_312, %swap3A_313], %unpack3A_302 {strides = array<i32>} : memref<133x256xf32, #tpu.memory_space<vmem>>, vector<16xf32>,
          %mul3A_315 = arith.constant 3 : i32
          %mul3A_316 = arith.muli %mul3A_315, %scan3A_214 : i32
          %add3A_317 = arith.constant 1 : i32
          %add3A_318 = arith.addi %mul3A_316, %add3A_317 : i32
          %mul3A_319 = arith.constant 1000 : i32
          %mul3A_320 = arith.muli %add3A_318, %mul3A_319 : i32
          %gather3A_321 = tpu.memref_slice %arg5[%mul3A_320] : memref<67000xi32, #tpu.memory_space<vmem>> -> memref<1000xi32, #tpu.memory_space<vmem>>
          %gather3A_322 = tpu.vector_load_idx %gather3A_321[%get3A_28] : memref<1000xi32, #tpu.memory_space<vmem>>[vector<16xi32>], vector<16xi32>,
          %bitcast3A_323 = vector.bitcast %gather3A_322 : vector<16xi32> to vector<32xbf16>
          %gather3A_324 = tpu.memref_slice %arg5[%mul3A_320] : memref<67000xi32, #tpu.memory_space<vmem>> -> memref<1000xi32, #tpu.memory_space<vmem>>
          %gather3A_325 = tpu.vector_load_idx %gather3A_324[%get3A_32] : memref<1000xi32, #tpu.memory_space<vmem>>[vector<16xi32>], vector<16xi32>,
          %bitcast3A_326 = vector.bitcast %gather3A_325 : vector<16xi32> to vector<32xbf16>
          %gather3A_327 = tpu.memref_slice %arg5[%mul3A_320] : memref<67000xi32, #tpu.memory_space<vmem>> -> memref<1000xi32, #tpu.memory_space<vmem>>
          %gather3A_328 = tpu.vector_load_idx %gather3A_327[%get3A_36] : memref<1000xi32, #tpu.memory_space<vmem>>[vector<16xi32>], vector<16xi32>,
          %bitcast3A_329 = vector.bitcast %gather3A_328 : vector<16xi32> to vector<32xbf16>
          %gather3A_330 = tpu.memref_slice %arg5[%mul3A_320] : memref<67000xi32, #tpu.memory_space<vmem>> -> memref<1000xi32, #tpu.memory_space<vmem>>
          %gather3A_331 = tpu.vector_load_idx %gather3A_330[%get3A_40] : memref<1000xi32, #tpu.memory_space<vmem>>[vector<16xi32>], vector<16xi32>,
          %bitcast3A_332 = vector.bitcast %gather3A_331 : vector<16xi32> to vector<32xbf16>
          %gather3A_333 = tpu.memref_slice %arg5[%mul3A_320] : memref<67000xi32, #tpu.memory_space<vmem>> -> memref<1000xi32, #tpu.memory_space<vmem>>
          %gather3A_334 = tpu.vector_load_idx %gather3A_333[%get3A_44] : memref<1000xi32, #tpu.memory_space<vmem>>[vector<16xi32>], vector<16xi32>,
          %bitcast3A_335 = vector.bitcast %gather3A_334 : vector<16xi32> to vector<32xbf16>
          %gather3A_336 = tpu.memref_slice %arg5[%mul3A_320] : memref<67000xi32, #tpu.memory_space<vmem>> -> memref<1000xi32, #tpu.memory_space<vmem>>
          %gather3A_337 = tpu.vector_load_idx %gather3A_336[%get3A_48] : memref<1000xi32, #tpu.memory_space<vmem>>[vector<16xi32>], vector<16xi32>,
          %bitcast3A_338 = vector.bitcast %gather3A_337 : vector<16xi32> to vector<32xbf16>
          %gather3A_339 = tpu.memref_slice %arg5[%mul3A_320] : memref<67000xi32, #tpu.memory_space<vmem>> -> memref<1000xi32, #tpu.memory_space<vmem>>
          %gather3A_340 = tpu.vector_load_idx %gather3A_339[%get3A_52] : memref<1000xi32, #tpu.memory_space<vmem>>[vector<16xi32>], vector<16xi32>,
          %bitcast3A_341 = vector.bitcast %gather3A_340 : vector<16xi32> to vector<32xbf16>
          %gather3A_342 = tpu.memref_slice %arg5[%mul3A_320] : memref<67000xi32, #tpu.memory_space<vmem>> -> memref<1000xi32, #tpu.memory_space<vmem>>
          %gather3A_343 = tpu.vector_load_idx %gather3A_342[%get3A_56] : memref<1000xi32, #tpu.memory_space<vmem>>[vector<16xi32>], vector<16xi32>,
          %bitcast3A_344 = vector.bitcast %gather3A_343 : vector<16xi32> to vector<32xbf16>
          %gather3A_345 = tpu.memref_slice %arg5[%mul3A_320] : memref<67000xi32, #tpu.memory_space<vmem>> -> memref<1000xi32, #tpu.memory_space<vmem>>
          %gather3A_346 = tpu.vector_load_idx %gather3A_345[%get3A_60] : memref<1000xi32, #tpu.memory_space<vmem>>[vector<16xi32>], vector<16xi32>,
          %bitcast3A_347 = vector.bitcast %gather3A_346 : vector<16xi32> to vector<32xbf16>
          %gather3A_348 = tpu.memref_slice %arg5[%mul3A_320] : memref<67000xi32, #tpu.memory_space<vmem>> -> memref<1000xi32, #tpu.memory_space<vmem>>
          %gather3A_349 = tpu.vector_load_idx %gather3A_348[%get3A_64] : memref<1000xi32, #tpu.memory_space<vmem>>[vector<16xi32>], vector<16xi32>,
          %bitcast3A_350 = vector.bitcast %gather3A_349 : vector<16xi32> to vector<32xbf16>
          %gather3A_351 = tpu.memref_slice %arg5[%mul3A_320] : memref<67000xi32, #tpu.memory_space<vmem>> -> memref<1000xi32, #tpu.memory_space<vmem>>
          %gather3A_352 = tpu.vector_load_idx %gather3A_351[%get3A_68] : memref<1000xi32, #tpu.memory_space<vmem>>[vector<16xi32>], vector<16xi32>,
          %bitcast3A_353 = vector.bitcast %gather3A_352 : vector<16xi32> to vector<32xbf16>
          %gather3A_354 = tpu.memref_slice %arg5[%mul3A_320] : memref<67000xi32, #tpu.memory_space<vmem>> -> memref<1000xi32, #tpu.memory_space<vmem>>
          %gather3A_355 = tpu.vector_load_idx %gather3A_354[%get3A_72] : memref<1000xi32, #tpu.memory_space<vmem>>[vector<16xi32>], vector<16xi32>,
          %bitcast3A_356 = vector.bitcast %gather3A_355 : vector<16xi32> to vector<32xbf16>
          %gather3A_357 = tpu.memref_slice %arg5[%mul3A_320] : memref<67000xi32, #tpu.memory_space<vmem>> -> memref<1000xi32, #tpu.memory_space<vmem>>
          %gather3A_358 = tpu.vector_load_idx %gather3A_357[%get3A_76] : memref<1000xi32, #tpu.memory_space<vmem>>[vector<16xi32>], vector<16xi32>,
          %bitcast3A_359 = vector.bitcast %gather3A_358 : vector<16xi32> to vector<32xbf16>
          %gather3A_360 = tpu.memref_slice %arg5[%mul3A_320] : memref<67000xi32, #tpu.memory_space<vmem>> -> memref<1000xi32, #tpu.memory_space<vmem>>
          %gather3A_361 = tpu.vector_load_idx %gather3A_360[%get3A_80] : memref<1000xi32, #tpu.memory_space<vmem>>[vector<16xi32>], vector<16xi32>,
          %bitcast3A_362 = vector.bitcast %gather3A_361 : vector<16xi32> to vector<32xbf16>
          %gather3A_363 = tpu.memref_slice %arg5[%mul3A_320] : memref<67000xi32, #tpu.memory_space<vmem>> -> memref<1000xi32, #tpu.memory_space<vmem>>
          %gather3A_364 = tpu.vector_load_idx %gather3A_363[%get3A_84] : memref<1000xi32, #tpu.memory_space<vmem>>[vector<16xi32>], vector<16xi32>,
          %bitcast3A_365 = vector.bitcast %gather3A_364 : vector<16xi32> to vector<32xbf16>
          %gather3A_366 = tpu.memref_slice %arg5[%mul3A_320] : memref<67000xi32, #tpu.memory_space<vmem>> -> memref<1000xi32, #tpu.memory_space<vmem>>
          %gather3A_367 = tpu.vector_load_idx %gather3A_366[%get3A_88] : memref<1000xi32, #tpu.memory_space<vmem>>[vector<16xi32>], vector<16xi32>,
          %bitcast3A_368 = vector.bitcast %gather3A_367 : vector<16xi32> to vector<32xbf16>
          %gather3A_369 = tpu.memref_slice %arg5[%mul3A_320] : memref<67000xi32, #tpu.memory_space<vmem>> -> memref<1000xi32, #tpu.memory_space<vmem>>
          %gather3A_370 = tpu.vector_load_idx %gather3A_369[%get3A_92] : memref<1000xi32, #tpu.memory_space<vmem>>[vector<16xi32>], vector<16xi32>,
          %bitcast3A_371 = vector.bitcast %gather3A_370 : vector<16xi32> to vector<32xbf16>
          %gather3A_372 = tpu.memref_slice %arg5[%mul3A_320] : memref<67000xi32, #tpu.memory_space<vmem>> -> memref<1000xi32, #tpu.memory_space<vmem>>
          %gather3A_373 = tpu.vector_load_idx %gather3A_372[%get3A_96] : memref<1000xi32, #tpu.memory_space<vmem>>[vector<16xi32>], vector<16xi32>,
          %bitcast3A_374 = vector.bitcast %gather3A_373 : vector<16xi32> to vector<32xbf16>
          %gather3A_375 = tpu.memref_slice %arg5[%mul3A_320] : memref<67000xi32, #tpu.memory_space<vmem>> -> memref<1000xi32, #tpu.memory_space<vmem>>
          %gather3A_376 = tpu.vector_load_idx %gather3A_375[%get3A_100] : memref<1000xi32, #tpu.memory_space<vmem>>[vector<16xi32>], vector<16xi32>,
          %bitcast3A_377 = vector.bitcast %gather3A_376 : vector<16xi32> to vector<32xbf16>
          %gather3A_378 = tpu.memref_slice %arg5[%mul3A_320] : memref<67000xi32, #tpu.memory_space<vmem>> -> memref<1000xi32, #tpu.memory_space<vmem>>
          %gather3A_379 = tpu.vector_load_idx %gather3A_378[%get3A_104] : memref<1000xi32, #tpu.memory_space<vmem>>[vector<16xi32>], vector<16xi32>,
          %bitcast3A_380 = vector.bitcast %gather3A_379 : vector<16xi32> to vector<32xbf16>
          %add3A_381 = arith.addf %bitcast3A_323, %bitcast3A_326 : vector<32xbf16>
          %add3A_382 = arith.addf %bitcast3A_329, %bitcast3A_332 : vector<32xbf16>
          %add3A_383 = arith.addf %bitcast3A_335, %bitcast3A_338 : vector<32xbf16>
          %add3A_384 = arith.addf %bitcast3A_341, %bitcast3A_344 : vector<32xbf16>
          %add3A_385 = arith.addf %bitcast3A_347, %bitcast3A_350 : vector<32xbf16>
          %add3A_386 = arith.addf %bitcast3A_353, %bitcast3A_356 : vector<32xbf16>
          %add3A_387 = arith.addf %bitcast3A_359, %bitcast3A_362 : vector<32xbf16>
          %add3A_388 = arith.addf %bitcast3A_365, %bitcast3A_368 : vector<32xbf16>
          %add3A_389 = arith.addf %bitcast3A_371, %bitcast3A_374 : vector<32xbf16>
          %add3A_390 = arith.addf %bitcast3A_377, %bitcast3A_380 : vector<32xbf16>
          %add3A_391 = arith.addf %add3A_381, %add3A_382 : vector<32xbf16>
          %add3A_392 = arith.addf %add3A_383, %add3A_384 : vector<32xbf16>
          %add3A_393 = arith.addf %add3A_385, %add3A_386 : vector<32xbf16>
          %add3A_394 = arith.addf %add3A_387, %add3A_388 : vector<32xbf16>
          %add3A_395 = arith.addf %add3A_389, %add3A_390 : vector<32xbf16>
          %add3A_396 = arith.addf %add3A_391, %add3A_392 : vector<32xbf16>
          %add3A_397 = arith.addf %add3A_393, %add3A_394 : vector<32xbf16>
          %add3A_398 = arith.addf %add3A_396, %add3A_397 : vector<32xbf16>
          %add3A_399 = arith.addf %add3A_398, %add3A_395 : vector<32xbf16>
          %unpack3A_400 = tpu.unpack_subelements %add3A_399, 0 {pack_format = #tpu.pack_format<interleaved>} : vector<32xbf16> -> vector<16xf32>
          %unpack3A_401 = tpu.unpack_subelements %add3A_399, 1 {pack_format = #tpu.pack_format<interleaved>} : vector<32xbf16> -> vector<16xf32>
          %mul3A_402 = arith.constant 2 : i32
          %mul3A_403 = arith.muli %mul3A_402, %add3A_318 : i32
          %swap3A_404 = arith.index_cast %mul3A_403 : i32 to index
          %swap3A_405 = arith.index_cast %mul3A_25 : i32 to index
          %swap3A_406 = tpu.vector_load %arg7[%swap3A_404, %swap3A_405] {strides = array<i32>} : memref<133x256xf32, #tpu.memory_space<vmem>>, vector<16xf32>,
          tpu.vector_store %arg7[%swap3A_404, %swap3A_405], %unpack3A_400 {strides = array<i32>} : memref<133x256xf32, #tpu.memory_space<vmem>>, vector<16xf32>,
          %mul3A_407 = arith.constant 2 : i32
          %mul3A_408 = arith.muli %mul3A_407, %add3A_318 : i32
          %add3A_409 = arith.constant 1 : i32
          %add3A_410 = arith.addi %mul3A_408, %add3A_409 : i32
          %swap3A_411 = arith.index_cast %add3A_410 : i32 to index
          %swap3A_412 = arith.index_cast %mul3A_25 : i32 to index
          %swap3A_413 = tpu.vector_load %arg7[%swap3A_411, %swap3A_412] {strides = array<i32>} : memref<133x256xf32, #tpu.memory_space<vmem>>, vector<16xf32>,
          tpu.vector_store %arg7[%swap3A_411, %swap3A_412], %unpack3A_401 {strides = array<i32>} : memref<133x256xf32, #tpu.memory_space<vmem>>, vector<16xf32>,
          %mul3A_414 = arith.constant 3 : i32
          %mul3A_415 = arith.muli %mul3A_414, %scan3A_214 : i32
          %add3A_416 = arith.constant 2 : i32
          %add3A_417 = arith.addi %mul3A_415, %add3A_416 : i32
          %mul3A_418 = arith.constant 1000 : i32
          %mul3A_419 = arith.muli %add3A_417, %mul3A_418 : i32
          %gather3A_420 = tpu.memref_slice %arg5[%mul3A_419] : memref<67000xi32, #tpu.memory_space<vmem>> -> memref<1000xi32, #tpu.memory_space<vmem>>
          %gather3A_421 = tpu.vector_load_idx %gather3A_420[%get3A_28] : memref<1000xi32, #tpu.memory_space<vmem>>[vector<16xi32>], vector<16xi32>,
          %bitcast3A_422 = vector.bitcast %gather3A_421 : vector<16xi32> to vector<32xbf16>
          %gather3A_423 = tpu.memref_slice %arg5[%mul3A_419] : memref<67000xi32, #tpu.memory_space<vmem>> -> memref<1000xi32, #tpu.memory_space<vmem>>
          %gather3A_424 = tpu.vector_load_idx %gather3A_423[%get3A_32] : memref<1000xi32, #tpu.memory_space<vmem>>[vector<16xi32>], vector<16xi32>,
          %bitcast3A_425 = vector.bitcast %gather3A_424 : vector<16xi32> to vector<32xbf16>
          %gather3A_426 = tpu.memref_slice %arg5[%mul3A_419] : memref<67000xi32, #tpu.memory_space<vmem>> -> memref<1000xi32, #tpu.memory_space<vmem>>
          %gather3A_427 = tpu.vector_load_idx %gather3A_426[%get3A_36] : memref<1000xi32, #tpu.memory_space<vmem>>[vector<16xi32>], vector<16xi32>,
          %bitcast3A_428 = vector.bitcast %gather3A_427 : vector<16xi32> to vector<32xbf16>
          %gather3A_429 = tpu.memref_slice %arg5[%mul3A_419] : memref<67000xi32, #tpu.memory_space<vmem>> -> memref<1000xi32, #tpu.memory_space<vmem>>
          %gather3A_430 = tpu.vector_load_idx %gather3A_429[%get3A_40] : memref<1000xi32, #tpu.memory_space<vmem>>[vector<16xi32>], vector<16xi32>,
          %bitcast3A_431 = vector.bitcast %gather3A_430 : vector<16xi32> to vector<32xbf16>
          %gather3A_432 = tpu.memref_slice %arg5[%mul3A_419] : memref<67000xi32, #tpu.memory_space<vmem>> -> memref<1000xi32, #tpu.memory_space<vmem>>
          %gather3A_433 = tpu.vector_load_idx %gather3A_432[%get3A_44] : memref<1000xi32, #tpu.memory_space<vmem>>[vector<16xi32>], vector<16xi32>,
          %bitcast3A_434 = vector.bitcast %gather3A_433 : vector<16xi32> to vector<32xbf16>
          %gather3A_435 = tpu.memref_slice %arg5[%mul3A_419] : memref<67000xi32, #tpu.memory_space<vmem>> -> memref<1000xi32, #tpu.memory_space<vmem>>
          %gather3A_436 = tpu.vector_load_idx %gather3A_435[%get3A_48] : memref<1000xi32, #tpu.memory_space<vmem>>[vector<16xi32>], vector<16xi32>,
          %bitcast3A_437 = vector.bitcast %gather3A_436 : vector<16xi32> to vector<32xbf16>
          %gather3A_438 = tpu.memref_slice %arg5[%mul3A_419] : memref<67000xi32, #tpu.memory_space<vmem>> -> memref<1000xi32, #tpu.memory_space<vmem>>
          %gather3A_439 = tpu.vector_load_idx %gather3A_438[%get3A_52] : memref<1000xi32, #tpu.memory_space<vmem>>[vector<16xi32>], vector<16xi32>,
          %bitcast3A_440 = vector.bitcast %gather3A_439 : vector<16xi32> to vector<32xbf16>
          %gather3A_441 = tpu.memref_slice %arg5[%mul3A_419] : memref<67000xi32, #tpu.memory_space<vmem>> -> memref<1000xi32, #tpu.memory_space<vmem>>
          %gather3A_442 = tpu.vector_load_idx %gather3A_441[%get3A_56] : memref<1000xi32, #tpu.memory_space<vmem>>[vector<16xi32>], vector<16xi32>,
          %bitcast3A_443 = vector.bitcast %gather3A_442 : vector<16xi32> to vector<32xbf16>
          %gather3A_444 = tpu.memref_slice %arg5[%mul3A_419] : memref<67000xi32, #tpu.memory_space<vmem>> -> memref<1000xi32, #tpu.memory_space<vmem>>
          %gather3A_445 = tpu.vector_load_idx %gather3A_444[%get3A_60] : memref<1000xi32, #tpu.memory_space<vmem>>[vector<16xi32>], vector<16xi32>,
          %bitcast3A_446 = vector.bitcast %gather3A_445 : vector<16xi32> to vector<32xbf16>
          %gather3A_447 = tpu.memref_slice %arg5[%mul3A_419] : memref<67000xi32, #tpu.memory_space<vmem>> -> memref<1000xi32, #tpu.memory_space<vmem>>
          %gather3A_448 = tpu.vector_load_idx %gather3A_447[%get3A_64] : memref<1000xi32, #tpu.memory_space<vmem>>[vector<16xi32>], vector<16xi32>,
          %bitcast3A_449 = vector.bitcast %gather3A_448 : vector<16xi32> to vector<32xbf16>
          %gather3A_450 = tpu.memref_slice %arg5[%mul3A_419] : memref<67000xi32, #tpu.memory_space<vmem>> -> memref<1000xi32, #tpu.memory_space<vmem>>
          %gather3A_451 = tpu.vector_load_idx %gather3A_450[%get3A_68] : memref<1000xi32, #tpu.memory_space<vmem>>[vector<16xi32>], vector<16xi32>,
          %bitcast3A_452 = vector.bitcast %gather3A_451 : vector<16xi32> to vector<32xbf16>
          %gather3A_453 = tpu.memref_slice %arg5[%mul3A_419] : memref<67000xi32, #tpu.memory_space<vmem>> -> memref<1000xi32, #tpu.memory_space<vmem>>
          %gather3A_454 = tpu.vector_load_idx %gather3A_453[%get3A_72] : memref<1000xi32, #tpu.memory_space<vmem>>[vector<16xi32>], vector<16xi32>,
          %bitcast3A_455 = vector.bitcast %gather3A_454 : vector<16xi32> to vector<32xbf16>
          %gather3A_456 = tpu.memref_slice %arg5[%mul3A_419] : memref<67000xi32, #tpu.memory_space<vmem>> -> memref<1000xi32, #tpu.memory_space<vmem>>
          %gather3A_457 = tpu.vector_load_idx %gather3A_456[%get3A_76] : memref<1000xi32, #tpu.memory_space<vmem>>[vector<16xi32>], vector<16xi32>,
          %bitcast3A_458 = vector.bitcast %gather3A_457 : vector<16xi32> to vector<32xbf16>
          %gather3A_459 = tpu.memref_slice %arg5[%mul3A_419] : memref<67000xi32, #tpu.memory_space<vmem>> -> memref<1000xi32, #tpu.memory_space<vmem>>
          %gather3A_460 = tpu.vector_load_idx %gather3A_459[%get3A_80] : memref<1000xi32, #tpu.memory_space<vmem>>[vector<16xi32>], vector<16xi32>,
          %bitcast3A_461 = vector.bitcast %gather3A_460 : vector<16xi32> to vector<32xbf16>
          %gather3A_462 = tpu.memref_slice %arg5[%mul3A_419] : memref<67000xi32, #tpu.memory_space<vmem>> -> memref<1000xi32, #tpu.memory_space<vmem>>
          %gather3A_463 = tpu.vector_load_idx %gather3A_462[%get3A_84] : memref<1000xi32, #tpu.memory_space<vmem>>[vector<16xi32>], vector<16xi32>,
          %bitcast3A_464 = vector.bitcast %gather3A_463 : vector<16xi32> to vector<32xbf16>
          %gather3A_465 = tpu.memref_slice %arg5[%mul3A_419] : memref<67000xi32, #tpu.memory_space<vmem>> -> memref<1000xi32, #tpu.memory_space<vmem>>
          %gather3A_466 = tpu.vector_load_idx %gather3A_465[%get3A_88] : memref<1000xi32, #tpu.memory_space<vmem>>[vector<16xi32>], vector<16xi32>,
          %bitcast3A_467 = vector.bitcast %gather3A_466 : vector<16xi32> to vector<32xbf16>
          %gather3A_468 = tpu.memref_slice %arg5[%mul3A_419] : memref<67000xi32, #tpu.memory_space<vmem>> -> memref<1000xi32, #tpu.memory_space<vmem>>
          %gather3A_469 = tpu.vector_load_idx %gather3A_468[%get3A_92] : memref<1000xi32, #tpu.memory_space<vmem>>[vector<16xi32>], vector<16xi32>,
          %bitcast3A_470 = vector.bitcast %gather3A_469 : vector<16xi32> to vector<32xbf16>
          %gather3A_471 = tpu.memref_slice %arg5[%mul3A_419] : memref<67000xi32, #tpu.memory_space<vmem>> -> memref<1000xi32, #tpu.memory_space<vmem>>
          %gather3A_472 = tpu.vector_load_idx %gather3A_471[%get3A_96] : memref<1000xi32, #tpu.memory_space<vmem>>[vector<16xi32>], vector<16xi32>,
          %bitcast3A_473 = vector.bitcast %gather3A_472 : vector<16xi32> to vector<32xbf16>
          %gather3A_474 = tpu.memref_slice %arg5[%mul3A_419] : memref<67000xi32, #tpu.memory_space<vmem>> -> memref<1000xi32, #tpu.memory_space<vmem>>
          %gather3A_475 = tpu.vector_load_idx %gather3A_474[%get3A_100] : memref<1000xi32, #tpu.memory_space<vmem>>[vector<16xi32>], vector<16xi32>,
          %bitcast3A_476 = vector.bitcast %gather3A_475 : vector<16xi32> to vector<32xbf16>
          %gather3A_477 = tpu.memref_slice %arg5[%mul3A_419] : memref<67000xi32, #tpu.memory_space<vmem>> -> memref<1000xi32, #tpu.memory_space<vmem>>
          %gather3A_478 = tpu.vector_load_idx %gather3A_477[%get3A_104] : memref<1000xi32, #tpu.memory_space<vmem>>[vector<16xi32>], vector<16xi32>,
          %bitcast3A_479 = vector.bitcast %gather3A_478 : vector<16xi32> to vector<32xbf16>
          %add3A_480 = arith.addf %bitcast3A_422, %bitcast3A_425 : vector<32xbf16>
          %add3A_481 = arith.addf %bitcast3A_428, %bitcast3A_431 : vector<32xbf16>
          %add3A_482 = arith.addf %bitcast3A_434, %bitcast3A_437 : vector<32xbf16>
          %add3A_483 = arith.addf %bitcast3A_440, %bitcast3A_443 : vector<32xbf16>
          %add3A_484 = arith.addf %bitcast3A_446, %bitcast3A_449 : vector<32xbf16>
          %add3A_485 = arith.addf %bitcast3A_452, %bitcast3A_455 : vector<32xbf16>
          %add3A_486 = arith.addf %bitcast3A_458, %bitcast3A_461 : vector<32xbf16>
          %add3A_487 = arith.addf %bitcast3A_464, %bitcast3A_467 : vector<32xbf16>
          %add3A_488 = arith.addf %bitcast3A_470, %bitcast3A_473 : vector<32xbf16>
          %add3A_489 = arith.addf %bitcast3A_476, %bitcast3A_479 : vector<32xbf16>
          %add3A_490 = arith.addf %add3A_480, %add3A_481 : vector<32xbf16>
          %add3A_491 = arith.addf %add3A_482, %add3A_483 : vector<32xbf16>
          %add3A_492 = arith.addf %add3A_484, %add3A_485 : vector<32xbf16>
          %add3A_493 = arith.addf %add3A_486, %add3A_487 : vector<32xbf16>
          %add3A_494 = arith.addf %add3A_488, %add3A_489 : vector<32xbf16>
          %add3A_495 = arith.addf %add3A_490, %add3A_491 : vector<32xbf16>
          %add3A_496 = arith.addf %add3A_492, %add3A_493 : vector<32xbf16>
          %add3A_497 = arith.addf %add3A_495, %add3A_496 : vector<32xbf16>
          %add3A_498 = arith.addf %add3A_497, %add3A_494 : vector<32xbf16>
          %unpack3A_499 = tpu.unpack_subelements %add3A_498, 0 {pack_format = #tpu.pack_format<interleaved>} : vector<32xbf16> -> vector<16xf32>
          %unpack3A_500 = tpu.unpack_subelements %add3A_498, 1 {pack_format = #tpu.pack_format<interleaved>} : vector<32xbf16> -> vector<16xf32>
          %mul3A_501 = arith.constant 2 : i32
          %mul3A_502 = arith.muli %mul3A_501, %add3A_417 : i32
          %swap3A_503 = arith.index_cast %mul3A_502 : i32 to index
          %swap3A_504 = arith.index_cast %mul3A_25 : i32 to index
          %swap3A_505 = tpu.vector_load %arg7[%swap3A_503, %swap3A_504] {strides = array<i32>} : memref<133x256xf32, #tpu.memory_space<vmem>>, vector<16xf32>,
          tpu.vector_store %arg7[%swap3A_503, %swap3A_504], %unpack3A_499 {strides = array<i32>} : memref<133x256xf32, #tpu.memory_space<vmem>>, vector<16xf32>,
          %mul3A_506 = arith.constant 2 : i32
          %mul3A_507 = arith.muli %mul3A_506, %add3A_417 : i32
          %add3A_508 = arith.constant 1 : i32
          %add3A_509 = arith.addi %mul3A_507, %add3A_508 : i32
          %swap3A_510 = arith.index_cast %add3A_509 : i32 to index
          %swap3A_511 = arith.index_cast %mul3A_25 : i32 to index
          %swap3A_512 = tpu.vector_load %arg7[%swap3A_510, %swap3A_511] {strides = array<i32>} : memref<133x256xf32, #tpu.memory_space<vmem>>, vector<16xf32>,
          tpu.vector_store %arg7[%swap3A_510, %swap3A_511], %unpack3A_500 {strides = array<i32>} : memref<133x256xf32, #tpu.memory_space<vmem>>, vector<16xf32>,
          %scan3A_513 = arith.constant 0 : i32
          scf.yield %scan3A_513 : i32
        }
        %scan3A_111 = arith.constant 22 : i32
        %gather3A = arith.constant 66000 : i32
        %gather3A_112 = tpu.memref_slice %arg5[%gather3A] : memref<67000xi32, #tpu.memory_space<vmem>> -> memref<1000xi32, #tpu.memory_space<vmem>>
        %gather3A_113 = tpu.vector_load_idx %gather3A_112[%get3A_28] : memref<1000xi32, #tpu.memory_space<vmem>>[vector<16xi32>], vector<16xi32>,
        %bitcast3A = vector.bitcast %gather3A_113 : vector<16xi32> to vector<32xbf16>
        %gather3A_114 = arith.constant 66000 : i32
        %gather3A_115 = tpu.memref_slice %arg5[%gather3A_114] : memref<67000xi32, #tpu.memory_space<vmem>> -> memref<1000xi32, #tpu.memory_space<vmem>>
        %gather3A_116 = tpu.vector_load_idx %gather3A_115[%get3A_32] : memref<1000xi32, #tpu.memory_space<vmem>>[vector<16xi32>], vector<16xi32>,
        %bitcast3A_117 = vector.bitcast %gather3A_116 : vector<16xi32> to vector<32xbf16>
        %gather3A_118 = arith.constant 66000 : i32
        %gather3A_119 = tpu.memref_slice %arg5[%gather3A_118] : memref<67000xi32, #tpu.memory_space<vmem>> -> memref<1000xi32, #tpu.memory_space<vmem>>
        %gather3A_120 = tpu.vector_load_idx %gather3A_119[%get3A_36] : memref<1000xi32, #tpu.memory_space<vmem>>[vector<16xi32>], vector<16xi32>,
        %bitcast3A_121 = vector.bitcast %gather3A_120 : vector<16xi32> to vector<32xbf16>
        %gather3A_122 = arith.constant 66000 : i32
        %gather3A_123 = tpu.memref_slice %arg5[%gather3A_122] : memref<67000xi32, #tpu.memory_space<vmem>> -> memref<1000xi32, #tpu.memory_space<vmem>>
        %gather3A_124 = tpu.vector_load_idx %gather3A_123[%get3A_40] : memref<1000xi32, #tpu.memory_space<vmem>>[vector<16xi32>], vector<16xi32>,
        %bitcast3A_125 = vector.bitcast %gather3A_124 : vector<16xi32> to vector<32xbf16>
        %gather3A_126 = arith.constant 66000 : i32
        %gather3A_127 = tpu.memref_slice %arg5[%gather3A_126] : memref<67000xi32, #tpu.memory_space<vmem>> -> memref<1000xi32, #tpu.memory_space<vmem>>
        %gather3A_128 = tpu.vector_load_idx %gather3A_127[%get3A_44] : memref<1000xi32, #tpu.memory_space<vmem>>[vector<16xi32>], vector<16xi32>,
        %bitcast3A_129 = vector.bitcast %gather3A_128 : vector<16xi32> to vector<32xbf16>
        %gather3A_130 = arith.constant 66000 : i32
        %gather3A_131 = tpu.memref_slice %arg5[%gather3A_130] : memref<67000xi32, #tpu.memory_space<vmem>> -> memref<1000xi32, #tpu.memory_space<vmem>>
        %gather3A_132 = tpu.vector_load_idx %gather3A_131[%get3A_48] : memref<1000xi32, #tpu.memory_space<vmem>>[vector<16xi32>], vector<16xi32>,
        %bitcast3A_133 = vector.bitcast %gather3A_132 : vector<16xi32> to vector<32xbf16>
        %gather3A_134 = arith.constant 66000 : i32
        %gather3A_135 = tpu.memref_slice %arg5[%gather3A_134] : memref<67000xi32, #tpu.memory_space<vmem>> -> memref<1000xi32, #tpu.memory_space<vmem>>
        %gather3A_136 = tpu.vector_load_idx %gather3A_135[%get3A_52] : memref<1000xi32, #tpu.memory_space<vmem>>[vector<16xi32>], vector<16xi32>,
        %bitcast3A_137 = vector.bitcast %gather3A_136 : vector<16xi32> to vector<32xbf16>
        %gather3A_138 = arith.constant 66000 : i32
        %gather3A_139 = tpu.memref_slice %arg5[%gather3A_138] : memref<67000xi32, #tpu.memory_space<vmem>> -> memref<1000xi32, #tpu.memory_space<vmem>>
        %gather3A_140 = tpu.vector_load_idx %gather3A_139[%get3A_56] : memref<1000xi32, #tpu.memory_space<vmem>>[vector<16xi32>], vector<16xi32>,
        %bitcast3A_141 = vector.bitcast %gather3A_140 : vector<16xi32> to vector<32xbf16>
        %gather3A_142 = arith.constant 66000 : i32
        %gather3A_143 = tpu.memref_slice %arg5[%gather3A_142] : memref<67000xi32, #tpu.memory_space<vmem>> -> memref<1000xi32, #tpu.memory_space<vmem>>
        %gather3A_144 = tpu.vector_load_idx %gather3A_143[%get3A_60] : memref<1000xi32, #tpu.memory_space<vmem>>[vector<16xi32>], vector<16xi32>,
        %bitcast3A_145 = vector.bitcast %gather3A_144 : vector<16xi32> to vector<32xbf16>
        %gather3A_146 = arith.constant 66000 : i32
        %gather3A_147 = tpu.memref_slice %arg5[%gather3A_146] : memref<67000xi32, #tpu.memory_space<vmem>> -> memref<1000xi32, #tpu.memory_space<vmem>>
        %gather3A_148 = tpu.vector_load_idx %gather3A_147[%get3A_64] : memref<1000xi32, #tpu.memory_space<vmem>>[vector<16xi32>], vector<16xi32>,
        %bitcast3A_149 = vector.bitcast %gather3A_148 : vector<16xi32> to vector<32xbf16>
        %gather3A_150 = arith.constant 66000 : i32
        %gather3A_151 = tpu.memref_slice %arg5[%gather3A_150] : memref<67000xi32, #tpu.memory_space<vmem>> -> memref<1000xi32, #tpu.memory_space<vmem>>
        %gather3A_152 = tpu.vector_load_idx %gather3A_151[%get3A_68] : memref<1000xi32, #tpu.memory_space<vmem>>[vector<16xi32>], vector<16xi32>,
        %bitcast3A_153 = vector.bitcast %gather3A_152 : vector<16xi32> to vector<32xbf16>
        %gather3A_154 = arith.constant 66000 : i32
        %gather3A_155 = tpu.memref_slice %arg5[%gather3A_154] : memref<67000xi32, #tpu.memory_space<vmem>> -> memref<1000xi32, #tpu.memory_space<vmem>>
        %gather3A_156 = tpu.vector_load_idx %gather3A_155[%get3A_72] : memref<1000xi32, #tpu.memory_space<vmem>>[vector<16xi32>], vector<16xi32>,
        %bitcast3A_157 = vector.bitcast %gather3A_156 : vector<16xi32> to vector<32xbf16>
        %gather3A_158 = arith.constant 66000 : i32
        %gather3A_159 = tpu.memref_slice %arg5[%gather3A_158] : memref<67000xi32, #tpu.memory_space<vmem>> -> memref<1000xi32, #tpu.memory_space<vmem>>
        %gather3A_160 = tpu.vector_load_idx %gather3A_159[%get3A_76] : memref<1000xi32, #tpu.memory_space<vmem>>[vector<16xi32>], vector<16xi32>,
        %bitcast3A_161 = vector.bitcast %gather3A_160 : vector<16xi32> to vector<32xbf16>
        %gather3A_162 = arith.constant 66000 : i32
        %gather3A_163 = tpu.memref_slice %arg5[%gather3A_162] : memref<67000xi32, #tpu.memory_space<vmem>> -> memref<1000xi32, #tpu.memory_space<vmem>>
        %gather3A_164 = tpu.vector_load_idx %gather3A_163[%get3A_80] : memref<1000xi32, #tpu.memory_space<vmem>>[vector<16xi32>], vector<16xi32>,
        %bitcast3A_165 = vector.bitcast %gather3A_164 : vector<16xi32> to vector<32xbf16>
        %gather3A_166 = arith.constant 66000 : i32
        %gather3A_167 = tpu.memref_slice %arg5[%gather3A_166] : memref<67000xi32, #tpu.memory_space<vmem>> -> memref<1000xi32, #tpu.memory_space<vmem>>
        %gather3A_168 = tpu.vector_load_idx %gather3A_167[%get3A_84] : memref<1000xi32, #tpu.memory_space<vmem>>[vector<16xi32>], vector<16xi32>,
        %bitcast3A_169 = vector.bitcast %gather3A_168 : vector<16xi32> to vector<32xbf16>
        %gather3A_170 = arith.constant 66000 : i32
        %gather3A_171 = tpu.memref_slice %arg5[%gather3A_170] : memref<67000xi32, #tpu.memory_space<vmem>> -> memref<1000xi32, #tpu.memory_space<vmem>>
        %gather3A_172 = tpu.vector_load_idx %gather3A_171[%get3A_88] : memref<1000xi32, #tpu.memory_space<vmem>>[vector<16xi32>], vector<16xi32>,
        %bitcast3A_173 = vector.bitcast %gather3A_172 : vector<16xi32> to vector<32xbf16>
        %gather3A_174 = arith.constant 66000 : i32
        %gather3A_175 = tpu.memref_slice %arg5[%gather3A_174] : memref<67000xi32, #tpu.memory_space<vmem>> -> memref<1000xi32, #tpu.memory_space<vmem>>
        %gather3A_176 = tpu.vector_load_idx %gather3A_175[%get3A_92] : memref<1000xi32, #tpu.memory_space<vmem>>[vector<16xi32>], vector<16xi32>,
        %bitcast3A_177 = vector.bitcast %gather3A_176 : vector<16xi32> to vector<32xbf16>
        %gather3A_178 = arith.constant 66000 : i32
        %gather3A_179 = tpu.memref_slice %arg5[%gather3A_178] : memref<67000xi32, #tpu.memory_space<vmem>> -> memref<1000xi32, #tpu.memory_space<vmem>>
        %gather3A_180 = tpu.vector_load_idx %gather3A_179[%get3A_96] : memref<1000xi32, #tpu.memory_space<vmem>>[vector<16xi32>], vector<16xi32>,
        %bitcast3A_181 = vector.bitcast %gather3A_180 : vector<16xi32> to vector<32xbf16>
        %gather3A_182 = arith.constant 66000 : i32
        %gather3A_183 = tpu.memref_slice %arg5[%gather3A_182] : memref<67000xi32, #tpu.memory_space<vmem>> -> memref<1000xi32, #tpu.memory_space<vmem>>
        %gather3A_184 = tpu.vector_load_idx %gather3A_183[%get3A_100] : memref<1000xi32, #tpu.memory_space<vmem>>[vector<16xi32>], vector<16xi32>,
        %bitcast3A_185 = vector.bitcast %gather3A_184 : vector<16xi32> to vector<32xbf16>
        %gather3A_186 = arith.constant 66000 : i32
        %gather3A_187 = tpu.memref_slice %arg5[%gather3A_186] : memref<67000xi32, #tpu.memory_space<vmem>> -> memref<1000xi32, #tpu.memory_space<vmem>>
        %gather3A_188 = tpu.vector_load_idx %gather3A_187[%get3A_104] : memref<1000xi32, #tpu.memory_space<vmem>>[vector<16xi32>], vector<16xi32>,
        %bitcast3A_189 = vector.bitcast %gather3A_188 : vector<16xi32> to vector<32xbf16>
        %add3A_190 = arith.addf %bitcast3A, %bitcast3A_117 : vector<32xbf16>
        %add3A_191 = arith.addf %bitcast3A_121, %bitcast3A_125 : vector<32xbf16>
        %add3A_192 = arith.addf %bitcast3A_129, %bitcast3A_133 : vector<32xbf16>
        %add3A_193 = arith.addf %bitcast3A_137, %bitcast3A_141 : vector<32xbf16>
        %add3A_194 = arith.addf %bitcast3A_145, %bitcast3A_149 : vector<32xbf16>
        %add3A_195 = arith.addf %bitcast3A_153, %bitcast3A_157 : vector<32xbf16>
        %add3A_196 = arith.addf %bitcast3A_161, %bitcast3A_165 : vector<32xbf16>
        %add3A_197 = arith.addf %bitcast3A_169, %bitcast3A_173 : vector<32xbf16>
        %add3A_198 = arith.addf %bitcast3A_177, %bitcast3A_181 : vector<32xbf16>
        %add3A_199 = arith.addf %bitcast3A_185, %bitcast3A_189 : vector<32xbf16>
        %add3A_200 = arith.addf %add3A_190, %add3A_191 : vector<32xbf16>
        %add3A_201 = arith.addf %add3A_192, %add3A_193 : vector<32xbf16>
        %add3A_202 = arith.addf %add3A_194, %add3A_195 : vector<32xbf16>
        %add3A_203 = arith.addf %add3A_196, %add3A_197 : vector<32xbf16>
        %add3A_204 = arith.addf %add3A_198, %add3A_199 : vector<32xbf16>
        %add3A_205 = arith.addf %add3A_200, %add3A_201 : vector<32xbf16>
        %add3A_206 = arith.addf %add3A_202, %add3A_203 : vector<32xbf16>
        %add3A_207 = arith.addf %add3A_205, %add3A_206 : vector<32xbf16>
        %add3A_208 = arith.addf %add3A_207, %add3A_204 : vector<32xbf16>
        %unpack3A = tpu.unpack_subelements %add3A_208, 0 {pack_format = #tpu.pack_format<interleaved>} : vector<32xbf16> -> vector<16xf32>
        %unpack3A_209 = tpu.unpack_subelements %add3A_208, 1 {pack_format = #tpu.pack_format<interleaved>} : vector<32xbf16> -> vector<16xf32>
        %swap3A = arith.constant 132 : i32
        %swap3A_210 = arith.index_cast %swap3A : i32 to index
        %swap3A_211 = arith.index_cast %mul3A_25 : i32 to index
        %swap3A_212 = tpu.vector_load %arg7[%swap3A_210, %swap3A_211] {strides = array<i32>} : memref<133x256xf32, #tpu.memory_space<vmem>>, vector<16xf32>,
        tpu.vector_store %arg7[%swap3A_210, %swap3A_211], %unpack3A {strides = array<i32>} : memref<133x256xf32, #tpu.memory_space<vmem>>, vector<16xf32>,
        %scan3A_213 = arith.constant 0 : i32
        scf.yield %scan3A_213 : i32
      }
      %scan3A_20 = arith.constant 16 : i32
      "tpu.region"() ({
        %run_scoped3A = tpu.sem_alloc : memref<!tpu.dma_semaphore, #tpu.memory_space<semaphore_mem>>
        %dma_start3A = arith.constant 0 : i32
        %dma_start3A_22 = tpu.memref_slice %arg4[%dma_start3A, %add3A_13] : memref<133x16384xf32, #tpu.memory_space<hbm>> -> memref<133x256xf32, #tpu.memory_space<hbm>>
        %dma_start3A_23 = arith.constant 0 : i32
        %dma_start3A_24 = tpu.memref_slice %arg4[%dma_start3A_23, %add3A_13] : memref<133x16384xf32, #tpu.memory_space<hbm>> -> memref<133x256xf32, #tpu.memory_space<hbm>>
        tpu.enqueue_dma source(%arg7 : memref<133x256xf32, #tpu.memory_space<vmem>>) target(%dma_start3A_24 : memref<133x256xf32, #tpu.memory_space<hbm>>) target_semaphore(%run_scoped3A : memref<!tpu.dma_semaphore, #tpu.memory_space<semaphore_mem>>)
        %dma_wait3A = arith.constant 0 : i32
        %dma_wait3A_25 = tpu.memref_slice %arg4[%dma_wait3A, %add3A_13] : memref<133x16384xf32, #tpu.memory_space<hbm>> -> memref<133x256xf32, #tpu.memory_space<hbm>>
        %dma_wait3A_26 = arith.constant 0 : i32
        %dma_wait3A_27 = tpu.memref_slice %arg4[%dma_wait3A_26, %add3A_13] : memref<133x16384xf32, #tpu.memory_space<hbm>> -> memref<133x256xf32, #tpu.memory_space<hbm>>
        tpu.wait_dma2 semaphore(%run_scoped3A : memref<!tpu.dma_semaphore, #tpu.memory_space<semaphore_mem>>) src(%arg7 : memref<133x256xf32, #tpu.memory_space<vmem>>) dst(%dma_wait3A_27 : memref<133x256xf32, #tpu.memory_space<hbm>>)
        tpu.yield
      }) : () -> ()
      %scan3A_21 = arith.constant 0 : i32
      scf.yield %scan3A_21 : i32
    }
    %scan3A_6 = arith.constant 2 : i32
    return
  }
}

</mosaic_0001>

<sc_bundles>
// kernel: kernel.3.cloned.1.call-start
scs
__scs_entry_jumppad:
0x0: {  	(pc) =	sbr.rel $0x88, $3  }
0x1: {  	(tag) =	ssettag $0x0;
	lr =	simm.s32 $0x1  }
0x2: {  	[smem:$0x3F9F] =	sst lr;
	_ =	strace $0xD0000000  }
0x3: {  	_ = 	snop  }
0x4: {  	_ = 	snop  }
0x5: {  	_ = 	snop  }
0x6: {  	_ = 	snop  }
0x7: {  	_ = 	snop  }
__scs_overlays_trampoline_lowered:
0x8: {  	[smem:$0x3FAE] =	sst s0  }
0x9: {  	[smem:$0x3FAF] =	sst s1  }
0xa: {  	[smem:$0x3FB0] =	sst s2  }
0xb: {  	[smem:$0x3FB1] =	sst s3  }
0xc: {  	[smem:$0x3FB2] =	sst s4  }
0xd: {  	[smem:$0x3FB3] =	sst s5  }
0xe: {  	[smem:$0x3FB4] =	sst s6  }
0xf: {  	[smem:$0x3FB5] =	sst s7  }
0x10: {  	[smem:$0x3FB6] =	sst s8  }
0x11: {  	[smem:$0x3FB7] =	sst s9;
	s0 =	simm.s32 @!p0 $0x0  }
0x12: {  	s1 =	sld [smem:$0x3F9D];
	s0 =	simm.s32 @p0 $0x1  }
0x13: {  	[smem:$0x3FB8] =	sst s0;
	s0 =	simm.s32 @!p1 $0x0  }
0x14: {  	s2 =	sld [smem:$0x3F9C];
	s0 =	simm.s32 @p1 $0x1  }
0x15: {  	[smem:$0x3FB9] =	sst s0;
	s0 =	simm.s32 @!p2 $0x0  }
0x16: {  	s3 =	sld [smem:$0x3FDB];
	s0 =	simm.s32 @p2 $0x1  }
0x17: {  	s4 =	simm.s32 $0x1BF5;
	[smem:$0x3FBB] =	sst s0  }
0x18: {  	s0 =	sld [smem:$0x3F9E];
	_ =	swait.ge [sflag:s4], $0x0  }
0x19: {  	s7 =	sld [smem:$0x3F9F]  }
0x1a: {  	s8 =	sadd.s32 $0xFFFFE003, lr  }
0x1b: {  	s9 =	sadd.s32 $0xFFFFFEF7, lr;
	s5 =	simm.s32 $0xFFFFFFFF;
	p2 =	slt.u32 s8, $0xFFFFF086  }
0x1c: {  	p1 =	slt.u32 s9, $0xF7A;
	s5 =	simm.s32 @!p2 $0x0  }
0x1d: {  	s5 =	simm.s32 @p1 $0x1;
	p0 =	seq.s32 s7, s2  }
0x1e: {  	s7 =	smul.u32 @!p0 $0xF7A, s2;
	p2 =	seq.s32 @!p0 s5, $0x0  }
0x1f: {  	s9 =	smul.u32 $0xF7A, s1;
	s8 =	simm.s32 @!p0 $0x1BF5;
	p2 =	por !p2, p0  }
0x20: {  	[sflag:s8] =	ssyncset.s32 @!p0 $0xFFFFF086;
	s6 =	sadd.s32 @!p0 s3, s7;
	s7 =	simm.s32 @!p0 $0x108  }
0x21: {  	s3 =	sadd.s32 s3, s9;
	s6 =	sadd.s32 @!p0 $0x88, s6;
	s7 =	simm.s32 @p2 $0x1082  }
0x22: {  	[simem:s7], [sflag:s8] =	dma.local @!p0 [hbm:s6], $0xF7A  }
0x23: {  	s9 =	sor.u32 $0xD0000000, s2;
	s6 =	simm.s32 $0x108;
	_ =	swait.ge @!p0 [sflag:s8], $0x0  }
0x24: {  	s3 =	sadd.s32 $0x88, s3;
	s6 =	simm.s32 @!p1 $0x1082;
	[sflag:s4] =	ssyncset.s32 $0xFFFFF086  }
0x25: {  	[simem:s6], [sflag:s4] =	dma.local [hbm:s3], $0xF7A  }
0x26: {  	[smem:$0x3F9F] =	sst s1;
	(tag) =	ssettag s2;
	_ =	strace s9  }
0x27: {  	s1 =	sld [smem:$0x3FAF]  }
0x28: {  	s2 =	sld [smem:$0x3FB0]  }
0x29: {  	s4 =	sld [smem:$0x3FB2]  }
0x2a: {  	p0 =	seq.s32 s5, $0x0;
	s5 =	sld [smem:$0x3FB3]  }
0x2b: {  	s6 =	sld [smem:$0x3FB4]  }
0x2c: {  	s7 =	sld [smem:$0x3FB5]  }
0x2d: {  	s3 =	simm.s32 $0x108;
	s8 =	sld [smem:$0x3FB6]  }
0x2e: {  	s3 =	simm.s32 @!p0 $0x1082;
	s9 =	sld [smem:$0x3FB7]  }
0x2f: {  	lr =	sadd.s32 s0, s3;
	s0 =	sld [smem:$0x3FAE]  }
0x30: {  	s3 =	sld [smem:$0x3FB1]  }
0x31: {  	[smem:$0x3FBA] =	sst s10  }
0x32: {  	s10 =	sld [smem:$0x3FB8];
	_ =	sdelay $0x3  }
0x33: {  	p0 =	seq.s32 s10, $0x1;
	s10 =	sld [smem:$0x3FBA];
	_ =	sdelay $0x3  }
0x34: {  	[smem:$0x3FBA] =	sst s10  }
0x35: {  	s10 =	sld [smem:$0x3FB9];
	_ =	sdelay $0x3  }
0x36: {  	p1 =	seq.s32 s10, $0x1;
	s10 =	sld [smem:$0x3FBA];
	_ =	sdelay $0x3  }
0x37: {  	[smem:$0x3FBA] =	sst s10  }
0x38: {  	s10 =	sld [smem:$0x3FBB]  }
0x39: {  	_ = 	snop;
	(pc) =	sbr.ind lr, $3  }
0x3a: {  	_ = 	snop  }
0x3b: {  	_ = 	snop  }
0x3c: {  	p2 =	seq.s32 s10, $0x1;
	s10 =	sld [smem:$0x3FBA]  }
0x3d: {  	_ =	shalt  }
0x3e: {  	_ =	shalt  }
0x3f: {  	_ =	shalt  }
0x40: {  	_ =	shalt  }
0x41: {  	_ =	shalt  }
0x42: {  	_ =	shalt  }
0x43: {  	_ =	shalt  }
0x44: {  	_ =	shalt  }
0x45: {  	_ =	shalt  }
0x46: {  	_ =	shalt  }
0x47: {  	_ =	shalt  }
0x48: {  	_ =	shalt  }
0x49: {  	_ =	shalt  }
0x4a: {  	_ =	shalt  }
0x4b: {  	_ =	shalt  }
0x4c: {  	_ =	shalt  }
0x4d: {  	_ =	shalt  }
0x4e: {  	_ =	shalt  }
0x4f: {  	_ =	shalt  }
0x50: {  	_ =	shalt  }
0x51: {  	_ =	shalt  }
0x52: {  	_ =	shalt  }
0x53: {  	_ =	shalt  }
0x54: {  	_ =	shalt  }
0x55: {  	_ =	shalt  }
0x56: {  	_ =	shalt  }
0x57: {  	_ =	shalt  }
0x58: {  	_ =	shalt  }
0x59: {  	_ =	shalt  }
0x5a: {  	_ =	shalt  }
0x5b: {  	_ =	shalt  }
0x5c: {  	_ =	shalt  }
0x5d: {  	_ =	shalt  }
0x5e: {  	_ =	shalt  }
0x5f: {  	_ =	shalt  }
0x60: {  	_ =	shalt  }
0x61: {  	_ =	shalt  }
0x62: {  	_ =	shalt  }
0x63: {  	_ =	shalt  }
0x64: {  	_ =	shalt  }
0x65: {  	_ =	shalt  }
0x66: {  	_ =	shalt  }
0x67: {  	_ =	shalt  }
0x68: {  	_ =	shalt  }
0x69: {  	_ =	shalt  }
0x6a: {  	_ =	shalt  }
0x6b: {  	_ =	shalt  }
0x6c: {  	_ =	shalt  }
0x6d: {  	_ =	shalt  }
0x6e: {  	_ =	shalt  }
0x6f: {  	_ =	shalt  }
0x70: {  	_ =	shalt  }
0x71: {  	_ =	shalt  }
0x72: {  	_ =	shalt  }
0x73: {  	_ =	shalt  }
0x74: {  	_ =	shalt  }
0x75: {  	_ =	shalt  }
0x76: {  	_ =	shalt  }
0x77: {  	_ =	shalt  }
0x78: {  	_ =	shalt  }
0x79: {  	_ =	shalt  }
0x7a: {  	_ =	shalt  }
0x7b: {  	_ =	shalt  }
0x7c: {  	_ =	shalt  }
0x7d: {  	_ =	shalt  }
0x7e: {  	_ =	shalt  }
0x7f: {  	_ =	shalt  }
0x80: {  	_ =	shalt  }
0x81: {  	_ =	shalt  }
0x82: {  	_ =	shalt  }
0x83: {  	_ =	shalt  }
0x84: {  	_ =	shalt  }
0x85: {  	_ =	shalt  }
0x86: {  	_ =	shalt  }
0x87: {  	_ =	shalt  }
.Lfunc_end0:
.L_simem_size_0:
called_computation_lowered:
.L_overlay_start_0:
0x88: {  	s2 =	sld [smem:$0x3FD9]  }
0x89: {  	s3 =	sld [smem:$0x3FFE];
	_ =	sdelay $0x1  }
0x8a: {  	s1 =	srdreg.scid  }
0x8b: {  	s0 =	sand.u32 $0x1, s1  }
0x8c: {  	s17 =	sshll.u32 s0, $0xA;
	s2 =	sadd.s32 s3, s2  }
0x8d: {  	s2 =	sadd.s32 s2, s17  }
0x8e: {  	[smem:$0x3FC6] =	sst s2  }
0x8f: {  	_ = 	snop  }
0x90: {  	s2 =	sld [smem:$0x3FC9]  }
0x91: {  	s18 =	sld [smem:$0x3FD0];
	(tm) =	ssettm $0x1  }
0x92: {  	s4 =	sld [smem:$0x3FFB];
	_ =	sdelay $0x3  }
0x93: {  	_ =	strace s4  }
0x94: {  	s4 =	sld [smem:$0x3FFC];
	_ =	sdelay $0x3  }
0x95: {  	_ =	strace s4  }
0x96: {  	s4 =	sld [smem:$0x3FFD];
	_ =	sdelay $0x3  }
0x97: {  	_ =	strace s4  }
0x98: {  	_ =	strace $0x8FFFFFFF  }
0x99: {  	s19 =	sld [smem:$0x3FDB];
	_ =	sdelay $0x1  }
0x9a: {  	s5 =	simm.s32 $_scs_section_size  }
0x9b: {  	s6 =	simm.s32 $_size__tile_overlayer_lowered;
	s7 =	simm.s32 $_tile_overlayer_lowered  }
0x9c: {  	s22 =	simm.s32 $0x1BFF;
	s21 =	sshll.u32 s7, $0x1;
	s4 =	sadd.s32 s5, s19  }
0x9d: {  	s8 =	simm.s32 $0x0;
	s20 =	sshll.u32 s6, $0x1;
	s6 =	sadd.s32 s21, s4  }
0x9e: {  	[timem:s8], [sflag:s22] =	dma.local [hbm:s6], s20  }
0x9f: {  	_ =	swait.ge [sflag:s22], s20  }
0xa0: {  	s5 =	ssub.s32 $0x0, s20;
	[sflag:s22] =	ssyncset.done $0x0  }
0xa1: {  	[sflag:s22] =	ssyncadd.s32 s5;
	_ =	sdelay $0x1  }
0xa2: {  	s23 =	simm.s32 $0x1B8B  }
0xa3: {  	_ =	swait.ge [sflag:s23], $0x1  }
0xa4: {  	[sflag:s23] =	ssyncset.done $0x0  }
0xa5: {  	s25 =	simm.s32 $0x1B8E;
	s24 =	sld [smem:$0x3FFE];
	[sflag:s23] =	ssyncadd.s32 $0xFFFFFFFF  }
0xa6: {  	s26 =	simm.s32 $execute0_lowered;
	[smem:$0x3FD2] =	sst s25  }
0xa7: {  	s6 =	sshll.u32 s26, $0x1;
	_ =	strace $0x80000046;
	[dreg:$0x1] =	wrdreg $0xFFFFFFFF  }
0xa8: {  	s28 =	simm.s32 $_size_execute0_lowered;
	s4 =	sadd.s32 s4, s6;
	[dreg:$0x0] =	wrdreg $0x0  }
0xa9: {  	s6 =	sshll.u32 s28, $0x1;
	[dreg:$0x2] =	wrdreg s4  }
0xaa: {  	[dreg:$0x3] =	wrdreg s6  }
0xab: {  	[dreg:$0x4] =	wrdreg $0xC0  }
0xac: {  	_ =	task [dreg:s8], $0x5FFFF  }
0xad: {  	[dreg:$0x1] =	wrdreg $0xFFFFFFFF  }
0xae: {  	[dreg:$0x0] =	wrdreg $0x60  }
0xaf: {  	[dreg:$0x2] =	wrdreg s2  }
0xb0: {  	[dreg:$0x3] =	wrdreg s24  }
0xb1: {  	[dreg:$0x4] =	wrdreg s18  }
0xb2: {  	[dreg:$0x5] =	wrdreg $0x9  }
0xb3: {  	_ =	task.clear_ibuf [dreg:s8], $0x6FFFF;
	_ =	strace $0x90000046  }
0xb4: {  	s29 =	simm.s32 $0x9;
	_ =	strace $0x80000048  }
0xb5: {  	_ =	swait.ge [sflag:s29], $0x1  }
0xb6: {  	[sflag:s29] =	ssyncadd.s32 $0xFFFFFFFF  }
0xb7: {  	_ =	strace $0x90000048  }
0xb8: {  	_ =	sfence  }
0xb9: {  	s30 =	sld [smem:$0x0];
	_ =	sdelay $0x2  }
0xba: {  	s31 =	sshll.u32 s1, $0xD;
	s1 =	sshrl.u32 s1, $0x2  }
0xbb: {  	s3 =	sand.u32 $0x4000, s31;
	s1 =	sadd.s32 s1, s30  }
0xbc: {  	s0 =	sor.u32 s3, s0;
	s1 =	sshll.u32 s1, $0x11  }
0xbd: {  	s0 =	sor.u32 s1, s0  }
0xbe: {  	s0 =	sadd.s32 $0x8F2B, s0  }
0xbf: {  	[sflag:s0] =	ssyncadd.remote.s32 $0x1  }
0xc0: {  	_ =	sfence.sel $0xFFFF  }
0xc1: {  	[dreg:$0x0] =	wrdreg $0xFFFFFFFF;
	(pc) =	sbr.abs _section_cstart, $3  }
0xc2: {  	[dreg:$0x1] =	wrdreg $0xFFFFFFFF  }
0xc3: {  	_ =	task.clear_ibuf [dreg:s8], $0x2FFFF;
	_ =	strace $0x9FFFFFFF  }
0xc4: {  	(tm) =	ssettm $0x7FFFFFFF  }
0xc5: {  	_ =	shalt  }
tec
execute0_lowered:
.L_overlay_start_1:
0x0: {  	(tag) =	ssettag $0x1  }
0x1: {  	s1 =	rddreg [dreg:$0x0]  }
0x2: {  	s2 =	rddreg [dreg:$0x1]  }
0x3: {  	s3 =	rddreg [dreg:$0x2]  }
0x4: {  	s5 =	srdreg.scid;
	s0 =	rddreg [dreg:$0x3];
	s4 =	simm.s32 $0x0  }
0x5: {  	s9 =	simm.s32 $0x800;
	s10 =	simm.s32 $0x20000;
	s11 =	simm.s32 $0x10600  }
0x6: {  	s12 =	simm.s32 $0x101D0;
	s13 =	simm.s32 $0x11E00;
	s6 =	sand.u32 $0x1, s5  }
0x7: {  	s14 =	simm.s32 $0x0;
	[smem:$0x7FF] =	sst s4;
	s7 =	ssub.s32 $0x2, s6  }
0x8: {  	s5 =	stileid.u32;
	_ =	strace $0x80000047;
	s8 =	sshrl.u32 s7, $0x1  }
0x9: {  	s31 =	sshll.u32 s5, $0xA;
	s6 =	sshll.u32 s6, $0x9;
	s7 =	ssub.s32 s7, s8  }
0xa: {  	s6 =	sor.u32 s6, s31;
	s8 =	simm.s32 $0x1;
	s7 =	smax.u32 s7, $0x1  }
.LBB2_1:
0xb: {  	[tilespmem:s4], [sflag:$0x1] =	stream.linear.gather [hbm4b:s2+s4], $0x10600, $0x38;
	[tilespmem:$0x1A600] =	vst v63  }
0xc: {  	_ =	swait.ge [sflag:s8], $0x10600  }
0xd: {  	[sflag:s8] =	ssyncset.done $0x0  }
0xe: {  	p1 =	por $0x1, $0x1;
	s15 =	simm.s32 $0x0;
	[sflag:s8] =	ssyncadd.s32 $0xFFFEFA00  }
.LBB2_2:
0xf: {  	s15 =	sor.u32 s6, s15  }
0x10: {  	s16 =	sadd.s32 s1, s15  }
0x11: {  	[tilespmem:s11], [sflag:$0x1] =	stream.strided.gather [hbm4b:s16+s9], $0x1800, s10, s9, $0x38;
	[tilespmem:$0x1A600] =	vst v63  }
0x12: {  	_ =	swait.ge [sflag:s8], $0x1800  }
0x13: {  	[sflag:s8] =	ssyncset.done $0x0  }
0x14: {  	p0 =	por p1, p1;
	s16 =	simm.s32 $0x0;
	[sflag:s8] =	ssyncadd.s32 $0xFFFFE800  }
.LBB2_3:
0x15: {  	s19 =	sshll.u32 s16, $0x4;
	s20 =	sshll.u32 s16, $0x7  }
0x16: {  	s17 =	sand.u32 $0x70, s19;
	s18 =	sand.u32 $0x400, s20  }
0x17: {  	s19 =	sor.u32 s20, s19;
	s21 =	sor.u32 s17, s18  }
0x18: {  	s19 =	sor.u32 $0x380, s19;
	v0 =	vld [tilespmem:s21+$0x10600]  }
0x19: {  	v9 =	vld [tilespmem:s19+$0x10600]  }
0x1a: {  	v10 =	vld [tilespmem:s21+$0x10E00]  }
0x1b: {  	v11 =	vld [tilespmem:s21+$0x10E80]  }
0x1c: {  	v12 =	vld [tilespmem:s21+$0x10F00]  }
0x1d: {  	v13 =	vld [tilespmem:s21+$0x10F80]  }
0x1e: {  	v14 =	vld [tilespmem:s21+$0x11000]  }
0x1f: {  	v6 =	vld [tilespmem:s21+$0x11180]  }
0x20: {  	v15 =	vld [tilespmem:s21+$0x11100]  }
0x21: {  	v19 =	vld [tilespmem:s21+$0x11080]  }
0x22: {  	v16 =	vld [tilespmem:s21+$0x11600]  }
0x23: {  	v17 =	vld [tilespmem:s21+$0x11680]  }
0x24: {  	v18 =	vld [tilespmem:s21+$0x11700]  }
0x25: {  	s22 =	sadd.s32 $0x10600, s21;
	v7 =	vld [tilespmem:s21+$0x11780]  }
0x26: {  	v1 =	vld [tilespmem:s22+$0x80]  }
0x27: {  	v2 =	vld [tilespmem:s22+$0x100]  }
0x28: {  	v3 =	vld [tilespmem:s22+$0x180]  }
0x29: {  	v4 =	vld [tilespmem:s22+$0x200]  }
0x2a: {  	v5 =	vld [tilespmem:s22+$0x280]  }
0x2b: {  	s19 =	simm.s32 $0x7D0;
	v8 =	vld [tilespmem:s22+$0x300]  }
0x2c: {  	v20 =	vld.idx.msk [tilespmem:v0+s19+$0xFFFFF830], $0xffff  }
0x2d: {  	v21 =	vld.idx.msk [tilespmem:v6+s19+$0xFFFFF830], $0xffff  }
0x2e: {  	v22 =	vld.idx.msk [tilespmem:v15+s19+$0xFFFFF830], $0xffff  }
0x2f: {  	v23 =	vld.idx.msk [tilespmem:v19+s19+$0xFFFFF830], $0xffff  }
0x30: {  	v24 =	vld.idx.msk [tilespmem:v14+s19+$0xFFFFF830], $0xffff  }
0x31: {  	v25 =	vld.idx.msk [tilespmem:v13+s19+$0xFFFFF830], $0xffff  }
0x32: {  	v26 =	vld.idx.msk [tilespmem:v12+s19+$0xFFFFF830], $0xffff  }
0x33: {  	v27 =	vld.idx.msk [tilespmem:v11+s19+$0xFFFFF830], $0xffff  }
0x34: {  	v28 =	vld.idx.msk [tilespmem:v10+s19+$0xFFFFF830], $0xffff  }
0x35: {  	v29 =	vld.idx.msk [tilespmem:v9+s19+$0xFFFFF830], $0xffff  }
0x36: {  	v30 =	vld.idx.msk [tilespmem:v8+s19+$0xFFFFF830], $0xffff  }
0x37: {  	v31 =	vld.idx.msk [tilespmem:v5+s19+$0xFFFFF830], $0xffff  }
0x38: {  	v32 =	vld.idx.msk [tilespmem:v4+s19+$0xFFFFF830], $0xffff  }
0x39: {  	v33 =	vld.idx.msk [tilespmem:v3+s19+$0xFFFFF830], $0xffff  }
0x3a: {  	v34 =	vld.idx.msk [tilespmem:v2+s19+$0xFFFFF830], $0xffff  }
0x3b: {  	v35 =	vld.idx.msk [tilespmem:v1+s19+$0xFFFFF830], $0xffff  }
0x3c: {  	v36 =	vld.idx.msk [tilespmem:v7+s19+$0xFFFFF830], $0xffff  }
0x3d: {  	v40 =	vld.idx.msk [tilespmem:v17+s19+$0xFFFFF830], $0xffff;
	v21 =	vadd.bf16 v21, v22;
	v22 =	vadd.bf16 v23, v24  }
0x3e: {  	v23 =	vld.idx.msk [tilespmem:v18+s19+$0xFFFFF830], $0xffff;
	v38 =	vadd.bf16 v25, v26;
	v39 =	vadd.bf16 v27, v28  }
0x3f: {  	v43 =	vld.idx.msk [tilespmem:v16+s19+$0xFFFFF830], $0xffff;
	v41 =	vadd.bf16 v29, v30;
	v42 =	vadd.bf16 v31, v32  }
0x40: {  	v44 =	vadd.bf16 v33, v34;
	v20 =	vadd.bf16 v35, v20  }
0x41: {  	v21 =	vadd.bf16 v21, v22;
	v22 =	vadd.bf16 v38, v39  }
0x42: {  	v45 =	vadd.bf16 v41, v42;
	v20 =	vadd.bf16 v44, v20  }
0x43: {  	v21 =	vadd.bf16 v21, v22;
	v22 =	vadd.bf16 v36, v23  }
0x44: {  	v23 =	vadd.bf16 v40, v43;
	v24 =	vadd.bf16 v45, v20;
	_ =	sdelay $0x1  }
0x45: {  	v20 =	vmov s17;
	v22 =	vadd.bf16 v22, v23;
	v21 =	vadd.bf16 v21, v24  }
0x46: {  	s28 =	simm.s32 $0x0  }
0x47: {  	s29 =	simm.s32 $0x0;
	s20 =	sadd.s32 $0x11E00, s18;
	s21 =	sand.u32 $0xF800, s28;
	v21 =	vadd.bf16 v22, v21  }
0x48: {  	s22 =	sand.u32 $0x300, s29;
	s21 =	sadd.s32 s21, s20  }
0x49: {  	s21 =	sadd.s32 s22, s21;
	v22 =	vunpack.i.l.bf16.f32 v21  }
0x4a: {  	v21 =	vunpack.i.u.bf16.f32 v21;
	[tilespmem:v20+s21+$0x0 ss:$0x1] =	vst.idx.msk $0xffff, v22  }
0x4b: {  	[tilespmem:v20+s21+$0x80 ss:$0x1] =	vst.idx.msk $0xffff, v21  }
0x4c: {  	v21 =	vld.idx.msk [tilespmem:v6+s19+$0xFFFFFC18], $0xffff  }
0x4d: {  	v22 =	vld.idx.msk [tilespmem:v13+s19+$0xFFFFFC18], $0xffff  }
0x4e: {  	v23 =	vld.idx.msk [tilespmem:v12+s19+$0xFFFFFC18], $0xffff  }
0x4f: {  	v46 =	vld.idx.msk [tilespmem:v9+s19+$0xFFFFFC18], $0xffff  }
0x50: {  	v47 =	vld.idx.msk [tilespmem:v11+s19+$0xFFFFFC18], $0xffff  }
0x51: {  	v48 =	vld.idx.msk [tilespmem:v8+s19+$0xFFFFFC18], $0xffff  }
0x52: {  	v49 =	vld.idx.msk [tilespmem:v5+s19+$0xFFFFFC18], $0xffff  }
0x53: {  	v50 =	vld.idx.msk [tilespmem:v4+s19+$0xFFFFFC18], $0xffff  }
0x54: {  	v51 =	vld.idx.msk [tilespmem:v19+s19+$0xFFFFFC18], $0xffff  }
0x55: {  	v52 =	vld.idx.msk [tilespmem:v3+s19+$0xFFFFFC18], $0xffff  }
0x56: {  	v53 =	vld.idx.msk [tilespmem:v2+s19+$0xFFFFFC18], $0xffff  }
0x57: {  	v54 =	vld.idx.msk [tilespmem:v1+s19+$0xFFFFFC18], $0xffff  }
0x58: {  	v55 =	vld.idx.msk [tilespmem:v15+s19+$0xFFFFFC18], $0xffff  }
0x59: {  	v56 =	vld.idx.msk [tilespmem:v14+s19+$0xFFFFFC18], $0xffff  }
0x5a: {  	v57 =	vld.idx.msk [tilespmem:v0+s19+$0xFFFFFC18], $0xffff  }
0x5b: {  	v58 =	vld.idx.msk [tilespmem:v10+s19+$0xFFFFFC18], $0xffff  }
0x5c: {  	v37 =	vld.idx.msk [tilespmem:v7+s19+$0xFFFFFC18], $0xffff  }
0x5d: {  	v60 =	vld.idx.msk [tilespmem:v18+s19+$0xFFFFFC18], $0xffff;
	v24 =	vadd.bf16 v46, v48;
	v59 =	vadd.bf16 v52, v53  }
0x5e: {  	v61 =	vld.idx.msk [tilespmem:v17+s19+$0xFFFFFC18], $0xffff;
	v27 =	vadd.bf16 v49, v50;
	v22 =	vadd.bf16 v22, v23  }
0x5f: {  	v21 =	vadd.bf16 v21, v55;
	v23 =	vld.idx.msk [tilespmem:v16+s19+$0xFFFFFC18], $0xffff;
	v62 =	vadd.bf16 v54, v57  }
0x60: {  	v29 =	vadd.bf16 v51, v56;
	v25 =	vadd.bf16 v47, v58  }
0x61: {  	v24 =	vadd.bf16 v24, v27;
	v26 =	vadd.bf16 v59, v62  }
0x62: {  	v22 =	vadd.bf16 v22, v25;
	v21 =	vadd.bf16 v21, v29  }
0x63: {  	v63 =	vadd.bf16 v37, v60;
	v24 =	vadd.bf16 v24, v26  }
0x64: {  	v21 =	vadd.bf16 v21, v22;
	v23 =	vadd.bf16 v61, v23;
	_ =	sdelay $0x1  }
0x65: {  	v21 =	vadd.bf16 v21, v24;
	v22 =	vadd.bf16 v63, v23  }
0x66: {  	s30 =	simm.s32 $0x200  }
0x67: {  	s31 =	simm.s32 $0x100;
	s21 =	sand.u32 $0x1F800, s30;
	v21 =	vadd.bf16 v22, v21  }
0x68: {  	s22 =	sand.u32 $0x300, s31;
	s21 =	sadd.s32 s21, s20  }
0x69: {  	s22 =	sadd.s32 s22, s21;
	v22 =	vunpack.i.l.bf16.f32 v21  }
0x6a: {  	s23 =	simm.s32 $0x200;
	s24 =	simm.s32 $0xA00;
	v21 =	vunpack.i.u.bf16.f32 v21;
	[tilespmem:v20+s22+$0x0 ss:$0x1] =	vst.idx.msk $0xffff, v22  }
0x6b: {  	s25 =	simm.s32 $0x7D0;
	s21 =	simm.s32 $0x400;
	[tilespmem:v20+s22+$0x80 ss:$0x1] =	vst.idx.msk $0xffff, v21;
	s22 =	simm.s32 $0x200  }
.LBB2_4:
0x6c: {  	p1 =	sne.s32 s24, $0x8200;
	v21 =	vld.idx.msk [tilespmem:v6+s19+$0x0], $0xffff;
	s23 =	sadd.s32 $0x300, s23;
	s25 =	sadd.s32 $0xBB8, s25  }
0x6d: {  	s26 =	smov.u32 s24;
	s24 =	sadd.s32 $0x600, s24;
	v22 =	vld.idx.msk [tilespmem:v15+s19+$0x0], $0xffff  }
0x6e: {  	v23 =	vld.idx.msk [tilespmem:v19+s19+$0x0], $0xffff  }
0x6f: {  	v24 =	vld.idx.msk [tilespmem:v14+s19+$0x0], $0xffff  }
0x70: {  	v25 =	vld.idx.msk [tilespmem:v13+s19+$0x0], $0xffff  }
0x71: {  	v26 =	vld.idx.msk [tilespmem:v12+s19+$0x0], $0xffff  }
0x72: {  	v27 =	vld.idx.msk [tilespmem:v11+s19+$0x0], $0xffff  }
0x73: {  	v21 =	vadd.bf16 v21, v22;
	v28 =	vld.idx.msk [tilespmem:v10+s19+$0x0], $0xffff  }
0x74: {  	v22 =	vld.idx.msk [tilespmem:v9+s19+$0x0], $0xffff  }
0x75: {  	v23 =	vadd.bf16 v23, v24;
	v29 =	vld.idx.msk [tilespmem:v8+s19+$0x0], $0xffff  }
0x76: {  	v24 =	vld.idx.msk [tilespmem:v5+s19+$0x0], $0xffff  }
0x77: {  	v25 =	vadd.bf16 v25, v26;
	v21 =	vadd.bf16 v21, v23;
	v30 =	vld.idx.msk [tilespmem:v4+s19+$0x0], $0xffff  }
0x78: {  	v23 =	vld.idx.msk [tilespmem:v3+s19+$0x0], $0xffff  }
0x79: {  	v27 =	vadd.bf16 v27, v28;
	v26 =	vld.idx.msk [tilespmem:v2+s19+$0x0], $0xffff  }
0x7a: {  	v28 =	vld.idx.msk [tilespmem:v1+s19+$0x0], $0xffff  }
0x7b: {  	v22 =	vadd.bf16 v22, v29;
	v25 =	vadd.bf16 v25, v27;
	v31 =	vld.idx.msk [tilespmem:v0+s19+$0x0], $0xffff  }
0x7c: {  	v27 =	vld.idx.msk [tilespmem:v7+s19+$0x0], $0xffff  }
0x7d: {  	v24 =	vadd.bf16 v24, v30;
	v21 =	vadd.bf16 v21, v25;
	v29 =	vld.idx.msk [tilespmem:v18+s19+$0x0], $0xffff  }
0x7e: {  	v25 =	vld.idx.msk [tilespmem:v17+s19+$0x0], $0xffff  }
0x7f: {  	v23 =	vadd.bf16 v23, v26;
	v22 =	vadd.bf16 v22, v24;
	v30 =	vld.idx.msk [tilespmem:v16+s19+$0x0], $0xffff;
	s19 =	smov.u32 s25;
	_ =	sdelay $0x1  }
0x80: {  	v24 =	vadd.bf16 v28, v31;
	_ =	sdelay $0x1  }
0x81: {  	v26 =	vadd.bf16 v27, v29;
	v23 =	vadd.bf16 v23, v24;
	_ =	sdelay $0x1  }
0x82: {  	v24 =	vadd.bf16 v25, v30;
	v22 =	vadd.bf16 v22, v23;
	_ =	sdelay $0x1  }
0x83: {  	v23 =	vadd.bf16 v26, v24;
	v21 =	vadd.bf16 v21, v22;
	_ =	sdelay $0x1  }
0x84: {  	s28 =	sand.u32 $0x1F800, s21;
	s21 =	smov.u32 s26;
	v21 =	vadd.bf16 v23, v21  }
0x85: {  	s26 =	sand.u32 $0x300, s22;
	s28 =	sadd.s32 s28, s20;
	s22 =	smov.u32 s23  }
0x86: {  	s26 =	sadd.s32 s26, s28;
	v22 =	vunpack.i.u.bf16.f32 v21;
	v21 =	vunpack.i.l.bf16.f32 v21  }
0x87: {  	[tilespmem:v20+s26+$0x0 ss:$0x1] =	vst.idx.msk $0xffff, v21  }
0x88: {  	[tilespmem:v20+s26+$0x80 ss:$0x1] =	vst.idx.msk $0xffff, v22;
	_ =	sdelay $0x1  }
0x89: {  	v21 =	vld.idx.msk [tilespmem:v0+s25+$0xFFFFF830], $0xffff  }
0x8a: {  	v22 =	vld.idx.msk [tilespmem:v6+s25+$0xFFFFF830], $0xffff  }
0x8b: {  	v23 =	vld.idx.msk [tilespmem:v15+s25+$0xFFFFF830], $0xffff  }
0x8c: {  	v24 =	vld.idx.msk [tilespmem:v19+s25+$0xFFFFF830], $0xffff  }
0x8d: {  	v25 =	vld.idx.msk [tilespmem:v14+s25+$0xFFFFF830], $0xffff  }
0x8e: {  	v26 =	vld.idx.msk [tilespmem:v13+s25+$0xFFFFF830], $0xffff  }
0x8f: {  	v27 =	vld.idx.msk [tilespmem:v12+s25+$0xFFFFF830], $0xffff  }
0x90: {  	v28 =	vld.idx.msk [tilespmem:v11+s25+$0xFFFFF830], $0xffff  }
0x91: {  	v22 =	vadd.bf16 v22, v23;
	v29 =	vld.idx.msk [tilespmem:v10+s25+$0xFFFFF830], $0xffff  }
0x92: {  	v23 =	vld.idx.msk [tilespmem:v9+s25+$0xFFFFF830], $0xffff  }
0x93: {  	v24 =	vadd.bf16 v24, v25;
	v30 =	vld.idx.msk [tilespmem:v8+s25+$0xFFFFF830], $0xffff  }
0x94: {  	v25 =	vld.idx.msk [tilespmem:v5+s25+$0xFFFFF830], $0xffff  }
0x95: {  	v26 =	vadd.bf16 v26, v27;
	v22 =	vadd.bf16 v22, v24;
	v31 =	vld.idx.msk [tilespmem:v4+s25+$0xFFFFF830], $0xffff  }
0x96: {  	v24 =	vld.idx.msk [tilespmem:v3+s25+$0xFFFFF830], $0xffff  }
0x97: {  	v28 =	vadd.bf16 v28, v29;
	v27 =	vld.idx.msk [tilespmem:v2+s25+$0xFFFFF830], $0xffff  }
0x98: {  	v29 =	vld.idx.msk [tilespmem:v1+s25+$0xFFFFF830], $0xffff  }
0x99: {  	v23 =	vadd.bf16 v23, v30;
	v26 =	vadd.bf16 v26, v28;
	v32 =	vld.idx.msk [tilespmem:v7+s25+$0xFFFFF830], $0xffff  }
0x9a: {  	v28 =	vld.idx.msk [tilespmem:v18+s25+$0xFFFFF830], $0xffff  }
0x9b: {  	v25 =	vadd.bf16 v25, v31;
	v22 =	vadd.bf16 v22, v26;
	v30 =	vld.idx.msk [tilespmem:v17+s25+$0xFFFFF830], $0xffff  }
0x9c: {  	v26 =	vld.idx.msk [tilespmem:v16+s25+$0xFFFFF830], $0xffff  }
0x9d: {  	v24 =	vadd.bf16 v24, v27;
	v23 =	vadd.bf16 v23, v25  }
0x9e: {  	v21 =	vadd.bf16 v29, v21;
	_ =	sdelay $0x1  }
0x9f: {  	v21 =	vadd.bf16 v24, v21  }
0xa0: {  	v24 =	vadd.bf16 v32, v28  }
0xa1: {  	v25 =	vadd.bf16 v30, v26;
	v21 =	vadd.bf16 v23, v21;
	_ =	sdelay $0x1  }
0xa2: {  	v23 =	vadd.bf16 v24, v25;
	v21 =	vadd.bf16 v22, v21  }
0xa3: {  	s26 =	sadd.s32 $0xFFFFFC00, s21  }
0xa4: {  	s28 =	sadd.s32 $0xFFFFFE00, s23;
	s26 =	sand.u32 $0xF800, s26;
	v21 =	vadd.bf16 v23, v21  }
0xa5: {  	s28 =	sand.u32 $0x300, s28;
	s26 =	sadd.s32 s26, s20  }
0xa6: {  	s26 =	sadd.s32 s28, s26;
	v22 =	vunpack.i.u.bf16.f32 v21;
	v21 =	vunpack.i.l.bf16.f32 v21  }
0xa7: {  	[tilespmem:v20+s26+$0x0 ss:$0x1] =	vst.idx.msk $0xffff, v21  }
0xa8: {  	[tilespmem:v20+s26+$0x80 ss:$0x1] =	vst.idx.msk $0xffff, v22  }
0xa9: {  	v21 =	vld.idx.msk [tilespmem:v6+s25+$0xFFFFFC18], $0xffff  }
0xaa: {  	v22 =	vld.idx.msk [tilespmem:v13+s25+$0xFFFFFC18], $0xffff  }
0xab: {  	v23 =	vld.idx.msk [tilespmem:v12+s25+$0xFFFFFC18], $0xffff  }
0xac: {  	v24 =	vld.idx.msk [tilespmem:v9+s25+$0xFFFFFC18], $0xffff  }
0xad: {  	v25 =	vld.idx.msk [tilespmem:v11+s25+$0xFFFFFC18], $0xffff  }
0xae: {  	v26 =	vld.idx.msk [tilespmem:v8+s25+$0xFFFFFC18], $0xffff  }
0xaf: {  	v27 =	vld.idx.msk [tilespmem:v5+s25+$0xFFFFFC18], $0xffff  }
0xb0: {  	v28 =	vld.idx.msk [tilespmem:v4+s25+$0xFFFFFC18], $0xffff  }
0xb1: {  	v29 =	vld.idx.msk [tilespmem:v19+s25+$0xFFFFFC18], $0xffff  }
0xb2: {  	v30 =	vld.idx.msk [tilespmem:v3+s25+$0xFFFFFC18], $0xffff  }
0xb3: {  	v31 =	vld.idx.msk [tilespmem:v2+s25+$0xFFFFFC18], $0xffff  }
0xb4: {  	v32 =	vld.idx.msk [tilespmem:v1+s25+$0xFFFFFC18], $0xffff  }
0xb5: {  	v33 =	vld.idx.msk [tilespmem:v15+s25+$0xFFFFFC18], $0xffff  }
0xb6: {  	v34 =	vld.idx.msk [tilespmem:v14+s25+$0xFFFFFC18], $0xffff  }
0xb7: {  	v35 =	vld.idx.msk [tilespmem:v0+s25+$0xFFFFFC18], $0xffff  }
0xb8: {  	v24 =	vadd.bf16 v24, v26;
	v36 =	vld.idx.msk [tilespmem:v10+s25+$0xFFFFFC18], $0xffff  }
0xb9: {  	v30 =	vadd.bf16 v30, v31;
	v26 =	vld.idx.msk [tilespmem:v7+s25+$0xFFFFFC18], $0xffff  }
0xba: {  	v27 =	vadd.bf16 v27, v28;
	v31 =	vld.idx.msk [tilespmem:v18+s25+$0xFFFFFC18], $0xffff  }
0xbb: {  	v22 =	vadd.bf16 v22, v23;
	v21 =	vadd.bf16 v21, v33;
	v28 =	vld.idx.msk [tilespmem:v17+s25+$0xFFFFFC18], $0xffff  }
0xbc: {  	v24 =	vadd.bf16 v24, v27;
	v29 =	vadd.bf16 v29, v34;
	v23 =	vld.idx.msk [tilespmem:v16+s25+$0xFFFFFC18], $0xffff  }
0xbd: {  	v27 =	vadd.bf16 v32, v35  }
0xbe: {  	v25 =	vadd.bf16 v25, v36  }
0xbf: {  	v27 =	vadd.bf16 v30, v27  }
0xc0: {  	v21 =	vadd.bf16 v21, v29;
	v22 =	vadd.bf16 v22, v25  }
0xc1: {  	v25 =	vadd.bf16 v26, v31;
	v24 =	vadd.bf16 v24, v27  }
0xc2: {  	v23 =	vadd.bf16 v28, v23;
	v21 =	vadd.bf16 v21, v22;
	_ =	sdelay $0x1  }
0xc3: {  	v22 =	vadd.bf16 v25, v23;
	v21 =	vadd.bf16 v21, v24  }
0xc4: {  	s26 =	sadd.s32 $0xFFFFFE00, s21  }
.Ltmp0:
0xc5: {  	s28 =	sadd.s32 $0xFFFFFF00, s23;
	s26 =	sand.u32 $0x1F800, s26;
	v21 =	vadd.bf16 v22, v21;
	(pc) =	sbr.rel @p1 .LBB2_4-.Ltmp0, $4  }
0xc6: {  	s28 =	sand.u32 $0x300, s28;
	s26 =	sadd.s32 s26, s20  }
0xc7: {  	s26 =	sadd.s32 s28, s26;
	v22 =	vunpack.i.u.bf16.f32 v21;
	v21 =	vunpack.i.l.bf16.f32 v21  }
0xc8: {  	[tilespmem:v20+s26+$0x0 ss:$0x1] =	vst.idx.msk $0xffff, v21  }
0xc9: {  	[tilespmem:v20+s26+$0x80 ss:$0x1] =	vst.idx.msk $0xffff, v22  }
0xca: {  	_ =	sdelay $0x3  }
0xcb: {  	v21 =	vld.idx.msk [tilespmem:v6+s19+$0x0], $0xffff  }
0xcc: {  	v22 =	vld.idx.msk [tilespmem:v15+s19+$0x0], $0xffff  }
0xcd: {  	v23 =	vld.idx.msk [tilespmem:v19+s19+$0x0], $0xffff  }
0xce: {  	v24 =	vld.idx.msk [tilespmem:v14+s19+$0x0], $0xffff  }
0xcf: {  	v25 =	vld.idx.msk [tilespmem:v13+s19+$0x0], $0xffff  }
0xd0: {  	v26 =	vld.idx.msk [tilespmem:v12+s19+$0x0], $0xffff  }
0xd1: {  	v27 =	vld.idx.msk [tilespmem:v11+s19+$0x0], $0xffff  }
0xd2: {  	v28 =	vld.idx.msk [tilespmem:v10+s19+$0x0], $0xffff  }
0xd3: {  	v29 =	vld.idx.msk [tilespmem:v9+s19+$0x0], $0xffff  }
0xd4: {  	v30 =	vld.idx.msk [tilespmem:v8+s19+$0x0], $0xffff  }
0xd5: {  	v31 =	vld.idx.msk [tilespmem:v5+s19+$0x0], $0xffff  }
0xd6: {  	v32 =	vld.idx.msk [tilespmem:v4+s19+$0x0], $0xffff  }
0xd7: {  	v33 =	vld.idx.msk [tilespmem:v3+s19+$0x0], $0xffff  }
0xd8: {  	v34 =	vld.idx.msk [tilespmem:v2+s19+$0x0], $0xffff  }
0xd9: {  	v35 =	vld.idx.msk [tilespmem:v1+s19+$0x0], $0xffff  }
0xda: {  	v36 =	vld.idx.msk [tilespmem:v0+s19+$0x0], $0xffff  }
0xdb: {  	v37 =	vld.idx.msk [tilespmem:v7+s19+$0x0], $0xffff  }
0xdc: {  	v54 =	vld.idx.msk [tilespmem:v18+s19+$0x0], $0xffff  }
0xdd: {  	v57 =	vld.idx.msk [tilespmem:v17+s19+$0x0], $0xffff;
	v21 =	vadd.bf16 v21, v22;
	v53 =	vadd.bf16 v23, v24  }
0xde: {  	v60 =	vld.idx.msk [tilespmem:v16+s19+$0x0], $0xffff;
	v55 =	vadd.bf16 v25, v26;
	v56 =	vadd.bf16 v27, v28  }
0xdf: {  	v58 =	vadd.bf16 v29, v30;
	v59 =	vadd.bf16 v31, v32  }
0xe0: {  	v61 =	vadd.bf16 v33, v34;
	v62 =	vadd.bf16 v35, v36  }
0xe1: {  	v21 =	vadd.bf16 v21, v53;
	v63 =	vadd.bf16 v55, v56  }
0xe2: {  	v28 =	vadd.bf16 v58, v59;
	v30 =	vadd.bf16 v61, v62  }
0xe3: {  	v31 =	vadd.bf16 v37, v54;
	v32 =	vadd.bf16 v57, v60  }
0xe4: {  	v21 =	vadd.bf16 v21, v63;
	v24 =	vadd.bf16 v28, v30;
	_ =	sdelay $0x1  }
0xe5: {  	v22 =	vadd.bf16 v31, v32;
	v21 =	vadd.bf16 v21, v24;
	_ =	sdelay $0x1  }
0xe6: {  	s30 =	sand.u32 $0x1F800, s21;
	v21 =	vadd.bf16 v22, v21  }
0xe7: {  	s31 =	sand.u32 $0x300, s22;
	s19 =	sadd.s32 s30, s20  }
0xe8: {  	s19 =	sadd.s32 s31, s19;
	v22 =	vunpack.i.l.bf16.f32 v21  }
0xe9: {  	v21 =	vunpack.i.u.bf16.f32 v21;
	[tilespmem:v20+s19+$0x0 ss:$0x1] =	vst.idx.msk $0xffff, v22  }
0xea: {  	[tilespmem:v20+s19+$0x80 ss:$0x1] =	vst.idx.msk $0xffff, v21  }
0xeb: {  	v33 =	vld.idx.msk [tilespmem:v0+s12+$0x0], $0xffff  }
0xec: {  	v34 =	vld.idx.msk [tilespmem:v1+s12+$0x0], $0xffff  }
0xed: {  	v35 =	vld.idx.msk [tilespmem:v2+s12+$0x0], $0xffff  }
0xee: {  	v36 =	vld.idx.msk [tilespmem:v3+s12+$0x0], $0xffff  }
0xef: {  	v37 =	vld.idx.msk [tilespmem:v4+s12+$0x0], $0xffff  }
0xf0: {  	v38 =	vld.idx.msk [tilespmem:v5+s12+$0x0], $0xffff  }
0xf1: {  	v39 =	vld.idx.msk [tilespmem:v8+s12+$0x0], $0xffff  }
0xf2: {  	v40 =	vld.idx.msk [tilespmem:v9+s12+$0x0], $0xffff  }
0xf3: {  	v41 =	vld.idx.msk [tilespmem:v10+s12+$0x0], $0xffff  }
0xf4: {  	v42 =	vld.idx.msk [tilespmem:v11+s12+$0x0], $0xffff  }
0xf5: {  	v43 =	vld.idx.msk [tilespmem:v12+s12+$0x0], $0xffff  }
0xf6: {  	v44 =	vld.idx.msk [tilespmem:v13+s12+$0x0], $0xffff  }
0xf7: {  	v45 =	vld.idx.msk [tilespmem:v14+s12+$0x0], $0xffff  }
0xf8: {  	v46 =	vld.idx.msk [tilespmem:v19+s12+$0x0], $0xffff  }
0xf9: {  	v47 =	vld.idx.msk [tilespmem:v15+s12+$0x0], $0xffff  }
0xfa: {  	v48 =	vld.idx.msk [tilespmem:v6+s12+$0x0], $0xffff  }
0xfb: {  	v49 =	vld.idx.msk [tilespmem:v16+s12+$0x0], $0xffff  }
0xfc: {  	v50 =	vld.idx.msk [tilespmem:v17+s12+$0x0], $0xffff  }
0xfd: {  	v51 =	vld.idx.msk [tilespmem:v18+s12+$0x0], $0xffff;
	v0 =	vadd.bf16 v34, v33;
	v52 =	vadd.bf16 v36, v35  }
0xfe: {  	v53 =	vld.idx.msk [tilespmem:v7+s12+$0x0], $0xffff;
	v54 =	vadd.bf16 v38, v37;
	v55 =	vadd.bf16 v40, v39  }
0xff: {  	v56 =	vadd.bf16 v42, v41;
	v57 =	vadd.bf16 v44, v43  }
0x100: {  	v58 =	vadd.bf16 v46, v45;
	v6 =	vadd.bf16 v48, v47  }
0x101: {  	v0 =	vadd.bf16 v52, v0;
	v59 =	vadd.bf16 v55, v54  }
0x102: {  	v60 =	vadd.bf16 v57, v56;
	v61 =	vadd.bf16 v6, v58  }
0x103: {  	v62 =	vadd.bf16 v50, v49;
	v2 =	vadd.bf16 v53, v51  }
0x104: {  	v0 =	vadd.bf16 v59, v0;
	v63 =	vadd.bf16 v61, v60  }
0x105: {  	s16 =	sadd.s32 $0x1, s16  }
0x106: {  	p1 =	sne.s32 s16, $0x10;
	v2 =	vadd.bf16 v2, v62;
	v0 =	vadd.bf16 v63, v0  }
.Ltmp1:
0x107: {  	_ = 	snop;
	(pc) =	sbr.rel @p1 .LBB2_3-.Ltmp1, $3  }
0x108: {  	v0 =	vadd.bf16 v2, v0;
	_ =	sdelay $0x1  }
0x109: {  	s17 =	sadd.s32 s17, s18;
	v0 =	vunpack.i.l.bf16.f32 v0  }
0x10a: {  	[tilespmem:s17+$0x1A000] =	vst v0  }
.Ltmp2:
0x10b: {  	s15 =	sadd.s32 s3, s15;
	(pc) =	sbr.rel @p0 .LBB2_2-.Ltmp2, $4  }
0x10c: {  	[hbm4b:s15+s9] =	stream.strided.scatter [tilespmem:s13], [sflag:$0x1], $0x8800, s10, s9, $0x38;
	[tilespmem:$0x1A600] =	vst v63  }
0x10d: {  	_ =	swait.ge [sflag:s8], $0x8800  }
0x10e: {  	[sflag:s8] =	ssyncset.done $0x0  }
0x10f: {  	p1 =	por $0x0, $0x0;
	s15 =	simm.s32 $0x100;
	[sflag:s8] =	ssyncadd.s32 $0xFFFF7800  }
0x110: {  	s14 =	sadd.s32 $0x1, s14  }
0x111: {  	p0 =	sne.s32 s14, s7  }
.Ltmp3:
0x112: {  	_ = 	snop;
	(pc) =	sbr.rel @p0 .LBB2_1-.Ltmp3, $1  }
0x113: {  	_ =	sdelay $0x3  }
0x114: {  	_ =	sfence.sel $0x180000  }
0x115: {  	[bflag:$0x0] =	sbarrier.arrive $0xFFFF  }
0x116: {  	p0 =	sne.s32 s5, $0x0;
	_ =	strace $0x90000047  }
0x117: {  	s0 =	sadd.s32 @!p0 $0x100000, s0;
	[bflag:$0x2] =	sbarrier.arrive $0xFFFF  }
0x118: {  	[sflag:s0] =	ssyncadd.tile.s32 @!p0 $0x1;
	_ =	shalt  }
.Lfunc_end2:
_tile_overlayer_lowered:
.L_overlay_start_2:
0x119: {  	(tag) =	ssettag $0x2  }
0x11a: {  	s0 =	rddreg [dreg:$0x0];
	s2 =	stileid.u32  }
0x11b: {  	s1 =	rddreg [dreg:$0x1];
	p0 =	sne.s32 s2, $0x0  }
0x11c: {  	s3 =	rddreg [dreg:$0x2];
	[bflag:$0x3] =	sbarrier.arrive $0xFFFF;
	s2 =	simm.s32 @!p0 $0x1C01  }
0x11d: {  	[timem:s3], [sflag:s2] =	dma.local @!p0 [hbm:s0], s1  }
0x11e: {  	s0 =	simm.s32 @!p0 $0x1  }
0x11f: {  	_ =	swait.ge @!p0 [sflag:s0], s1  }
0x120: {  	s1 =	ssub.s32 @!p0 $0x0, s1;
	[sflag:s0] =	ssyncset.done @!p0 $0x0  }
0x121: {  	[sflag:s0] =	ssyncadd.s32 @!p0 s1  }
0x122: {  	[bflag:$0x3] =	sbarrier.arrive $0xFFFF  }
0x123: {  	_ =	shalt  }

</sc_bundles>
